<compile_context>
chip_gen: v7x
topology: tpu7x:2x2x1
jax: 0.10.2.dev20260603
libtpu: 0.0.44.dev20260713+nightly
codegen_flags: <defaults>
</compile_context>

<pallas_src>
import functools

import jax
import jax.numpy as jnp
from jax import lax
from jax.experimental import pallas as pl
from jax.experimental.pallas import tpu as pltpu
from jax.experimental.pallas import tpu_sc as plsc

N = 10000
E = 160000
IN = 128
HID = 16
DE = 16
DOUT = 64

_NC = 2
_NS = 16
_NW = _NC * _NS
_CH = 128
_NCHUNK = E // _CH
_SC_ITERS = -(-_NCHUNK // _NW)
_NPAD = 10240
_NR = _NPAD * HID // 128
_RPT = _NR // _NS


def _make_sc_gather(feat):
    mesh = plsc.VectorSubcoreMesh(core_axis_name="c", subcore_axis_name="s")

    @functools.partial(
        pl.kernel,
        mesh=mesh,
        out_type=jax.ShapeDtypeStruct((E, feat), jnp.float32),
        scratch_types=[
            pltpu.VMEM((_CH,), jnp.int32),
            pltpu.VMEM((_CH, feat), jnp.float32),
            pltpu.SemaphoreType.DMA,
        ],
    )
    def gather(table_hbm, idx_hbm, out_hbm, idx_v, rows_v, sem):
        wid = lax.axis_index("s") * _NC + lax.axis_index("c")

        def body(j, carry):
            chunk = j * _NW + wid

            @pl.when(chunk < _NCHUNK)
            def _():
                base = chunk * _CH
                pltpu.sync_copy(idx_hbm.at[pl.ds(base, _CH)], idx_v)
                pltpu.async_copy(table_hbm.at[idx_v], rows_v, sem).wait()
                pltpu.sync_copy(rows_v, out_hbm.at[pl.ds(base, _CH)])

            return carry

        lax.fori_loop(0, _SC_ITERS, body, 0)

    return gather


def _make_sc_scatter():
    mesh = plsc.VectorSubcoreMesh(core_axis_name="c", subcore_axis_name="s")

    @functools.partial(
        pl.kernel,
        mesh=mesh,
        out_type=jax.ShapeDtypeStruct((_NC, _NR, 128), jnp.float32),
        scratch_types=[
            pltpu.VMEM((_CH,), jnp.int32),
            pltpu.VMEM((_CH,), jnp.int32),
            pltpu.VMEM((_CH, 128), jnp.float32),
            pltpu.VMEM((_RPT, 128), jnp.float32),
            pltpu.VMEM_SHARED((_NR, 128), jnp.float32),
        ],
    )
    def scatter(dst_hbm, msg_hbm, out_hbm, idx_v, idx8_v, upd_v, stage_v, acc_sh):
        c = lax.axis_index("c")
        s = lax.axis_index("s")
        wid = s * _NC + c

        def zrow(i, carry):
            for j in range(8):
                stage_v[i, pl.ds(j * 16, 16)] = jnp.zeros((16,), jnp.float32)
            return carry

        lax.fori_loop(0, _RPT, zrow, 0)
        pltpu.sync_copy(stage_v, acc_sh.at[pl.ds(s * _RPT, _RPT)])
        plsc.subcore_barrier()

        def body(j, carry):
            chunk = j * _NW + wid

            @pl.when(chunk < _NCHUNK)
            def _():
                base = chunk * _CH
                pltpu.sync_copy(dst_hbm.at[pl.ds(base, _CH)], idx_v)
                for j8 in range(8):
                    sl = pl.ds(j8 * 16, 16)
                    idx8_v[sl] = lax.shift_right_logical(idx_v[sl], 3)
                pltpu.sync_copy(msg_hbm.at[pl.ds(base, _CH)], upd_v)
                pltpu.sync_copy(upd_v, acc_sh.at[idx8_v], add=True)

            return carry

        lax.fori_loop(0, _SC_ITERS, body, 0)
        plsc.subcore_barrier()
        pltpu.sync_copy(acc_sh.at[pl.ds(s * _RPT, _RPT)], stage_v)
        pltpu.sync_copy(stage_v, out_hbm.at[c, pl.ds(s * _RPT, _RPT)])

    return scatter


_BE1 = 640


def _place128(msg, dcol):
    f32 = jnp.float32
    m8 = lax.rem(dcol[...], jnp.int32(8))
    return jnp.concatenate([msg * (m8 == k).astype(f32) for k in range(8)],
                           axis=1)


def _edge1_body(ea_ref, xg_ref, dcol, w0, b0, w1, b1, w2, b2, w3p, b3p, bsel, o_ref):
    f32 = jnp.float32
    h = jnp.maximum(jnp.dot(ea_ref[...], w0[...], preferred_element_type=f32) + b0[...], 0.0)
    h = jnp.maximum(jnp.dot(h, w1[...], preferred_element_type=f32) + b1[...], 0.0)
    h = jnp.maximum(jnp.dot(h, w2[...], preferred_element_type=f32) + b2[...], 0.0)
    wt = jnp.dot(h, w3p[...], preferred_element_type=f32) + b3p[...]
    xt = jnp.concatenate([xg_ref[...]] * HID, axis=1)
    msg = jnp.dot(wt * xt, bsel[...], preferred_element_type=f32)
    o_ref[...] = _place128(msg, dcol)


_BE2 = 1600


def _edge2_body(ea_ref, xg_ref, dcol, w0, b0, w1, b1, w2, b2, w3, b3, rexp, bsel2, o_ref):
    f32 = jnp.float32
    h = jnp.maximum(jnp.dot(ea_ref[...], w0[...], preferred_element_type=f32) + b0[...], 0.0)
    h = jnp.maximum(jnp.dot(h, w1[...], preferred_element_type=f32) + b1[...], 0.0)
    h = jnp.maximum(jnp.dot(h, w2[...], preferred_element_type=f32) + b2[...], 0.0)
    we = jnp.dot(h, w3[...], preferred_element_type=f32) + b3[...]
    xrep = jnp.dot(xg_ref[:, :HID], rexp[...], preferred_element_type=f32)
    msg = jnp.dot(we * xrep, bsel2[...], preferred_element_type=f32)
    o_ref[...] = _place128(msg, dcol)


def _node1_body(p_ref, x_ref, root, bias, g, b, o_ref, op_ref):
    f32 = jnp.float32
    t = p_ref[0] + p_ref[1] + jnp.dot(x_ref[...], root[...], preferred_element_type=f32) + bias[...]
    m = jnp.mean(t, axis=0, keepdims=True)
    d = t - m
    v = jnp.mean(d * d, axis=0, keepdims=True)
    x2 = jnp.maximum(d / jnp.sqrt(v + 1e-5) * g[...] + b[...], 0.0)
    o_ref[...] = x2
    op_ref[...] = jnp.concatenate([x2, jnp.zeros((N, IN - HID), f32)], axis=1)


def _node2_body(p_ref, x_ref, root, bias, g, b, fcw, fcb, o_ref):
    f32 = jnp.float32
    t = p_ref[0] + p_ref[1] + jnp.dot(x_ref[...], root[...], preferred_element_type=f32) + bias[...]
    m = jnp.mean(t, axis=0, keepdims=True)
    d = t - m
    v = jnp.mean(d * d, axis=0, keepdims=True)
    h = jnp.maximum(d / jnp.sqrt(v + 1e-5) * g[...] + b[...], 0.0)
    o_ref[...] = jnp.dot(h, fcw[...], preferred_element_type=f32) + fcb[...]


def _full(shape):
    nd = len(shape)
    return pl.BlockSpec(shape, lambda *_: (0,) * nd)


def _edge1_call(ea, xg, dcol, w0, b0, w1, b1, w2, b2, w3p, b3p, bsel):
    grid = (E // _BE1,)
    return pl.pallas_call(
        _edge1_body,
        grid=grid,
        in_specs=[
            pl.BlockSpec((_BE1, DE), lambda i: (i, 0)),
            pl.BlockSpec((_BE1, IN), lambda i: (i, 0)),
            pl.BlockSpec((_BE1, 1), lambda i: (i, 0)),
            _full(w0.shape), _full(b0.shape), _full(w1.shape), _full(b1.shape),
            _full(w2.shape), _full(b2.shape), _full(w3p.shape), _full(b3p.shape),
            _full(bsel.shape),
        ],
        out_specs=pl.BlockSpec((_BE1, 128), lambda i: (i, 0)),
        out_shape=jax.ShapeDtypeStruct((E, 128), jnp.float32),
    )(ea, xg, dcol, w0, b0, w1, b1, w2, b2, w3p, b3p, bsel)


def _edge2_call(ea, xg, dcol, w0, b0, w1, b1, w2, b2, w3, b3, rexp, bsel2):
    grid = (E // _BE2,)
    return pl.pallas_call(
        _edge2_body,
        grid=grid,
        in_specs=[
            pl.BlockSpec((_BE2, DE), lambda i: (i, 0)),
            pl.BlockSpec((_BE2, IN), lambda i: (i, 0)),
            pl.BlockSpec((_BE2, 1), lambda i: (i, 0)),
            _full(w0.shape), _full(b0.shape), _full(w1.shape), _full(b1.shape),
            _full(w2.shape), _full(b2.shape), _full(w3.shape), _full(b3.shape),
            _full(rexp.shape), _full(bsel2.shape),
        ],
        out_specs=pl.BlockSpec((_BE2, 128), lambda i: (i, 0)),
        out_shape=jax.ShapeDtypeStruct((E, 128), jnp.float32),
    )(ea, xg, dcol, w0, b0, w1, b1, w2, b2, w3, b3, rexp, bsel2)


def _node1_call(parts, x, root, bias, g, b):
    return pl.pallas_call(
        _node1_body,
        in_specs=[_full(parts.shape), _full(x.shape), _full(root.shape),
                  _full(bias.shape), _full(g.shape), _full(b.shape)],
        out_specs=[_full((N, HID)), _full((N, IN))],
        out_shape=[jax.ShapeDtypeStruct((N, HID), jnp.float32),
                   jax.ShapeDtypeStruct((N, IN), jnp.float32)],
    )(parts, x, root, bias, g, b)


def _node2_call(parts, x, root, bias, g, b, fcw, fcb):
    return pl.pallas_call(
        _node2_body,
        in_specs=[_full(parts.shape), _full(x.shape), _full(root.shape),
                  _full(bias.shape), _full(g.shape), _full(b.shape),
                  _full(fcw.shape), _full(fcb.shape)],
        out_specs=_full((N, DOUT)),
        out_shape=jax.ShapeDtypeStruct((N, DOUT), jnp.float32),
    )(parts, x, root, bias, g, b, fcw, fcb)


_sc_cache = {}


def _sc(name):
    if name not in _sc_cache:
        _sc_cache["gw"] = _make_sc_gather(IN)
        _sc_cache["gn"] = _make_sc_gather(HID)
        _sc_cache["sc"] = _make_sc_scatter()
    return _sc_cache[name]


def kernel(x, edge_index, edge_attr, e1_w0, e1_b0, e1_w1, e1_b1, e1_w2, e1_b2,
           e1_w3, e1_b3, c1_root, c1_bias, e2_w0, e2_b0, e2_w1, e2_b1, e2_w2,
           e2_b2, e2_w3, e2_b3, c2_root, c2_bias, bn1_g, bn1_b, bn2_g, bn2_b,
           fc_w, fc_b):
    f32 = jnp.float32
    src = edge_index[0]
    dst = edge_index[1]

    w3p = e1_w3.reshape(128, IN, HID).transpose(0, 2, 1).reshape(128, HID * IN)
    b3p = e1_b3.reshape(IN, HID).T.reshape(1, HID * IN)
    bsel = jnp.kron(jnp.eye(HID, dtype=f32), jnp.ones((IN, 1), f32))
    rexp = jnp.repeat(jnp.eye(HID, dtype=f32), HID, axis=1)
    bsel2 = jnp.tile(jnp.eye(HID, dtype=f32), (HID, 1))

    r2 = lambda a: a.reshape(1, -1)

    dcol = dst.reshape(E, 1)
    unpack = lambda p: p.reshape(_NC, _NPAD, HID)[:, :N, :]

    xg = _sc("gw")(x, src)
    msg1 = _edge1_call(edge_attr, xg, dcol, e1_w0, r2(e1_b0), e1_w1, r2(e1_b1),
                       e1_w2, r2(e1_b2), w3p, b3p, bsel)
    parts1 = unpack(_sc("sc")(dst, msg1))
    x2, x2p = _node1_call(parts1, x, c1_root, r2(c1_bias), r2(bn1_g), r2(bn1_b))

    x2g = _sc("gw")(x2p, src)
    msg2 = _edge2_call(edge_attr, x2g, dcol, e2_w0, r2(e2_b0), e2_w1, r2(e2_b1),
                       e2_w2, r2(e2_b2), e2_w3, r2(e2_b3), rexp, bsel2)
    parts2 = unpack(_sc("sc")(dst, msg2))
    return _node2_call(parts2, x2, c2_root, r2(c2_bias), r2(bn2_g), r2(bn2_b),
                       fc_w, fc_b)

# --- scband reference (transcript-rebuilt; emitter-appended) ---
"""Pipeline reference for scband-gnn-72696616452564 (READ-ONLY COPY).

The authoritative reference and input builder live on the scoring server;
editing this copy changes nothing except your own understanding.
"""

import jax, jax.numpy as jnp
import numpy as np

N = 10000
E = 160000
IN = 128
HID = 16
DE = 16
DOUT = 64


def _mlp(e, p):
    h = jax.nn.relu(e @ p[0] + p[1])
    h = jax.nn.relu(h @ p[2] + p[3])
    h = jax.nn.relu(h @ p[4] + p[5])
    return h @ p[6] + p[7]


def _nnconv(x, src, dst, edge_attr, mlp_p, root, bias, in_c, out_c):
    W = _mlp(edge_attr, mlp_p).reshape(E, in_c, out_c)
    msg = jnp.einsum('ei,eio->eo', x[src], W)
    agg = jax.ops.segment_sum(msg, dst, num_segments=N)
    return agg + x @ root + bias


def _bn(h, g, b):
    m = h.mean(0)
    v = h.var(0)
    return (h - m) / jnp.sqrt(v + 1e-5) * g + b


def setup_inputs(seed: int = 0):
    key = jax.random.key(seed)
    ks = jax.random.split(key, 32)
    def w(i, shape):
        return jax.random.normal(ks[i], shape, dtype=jnp.float32) * 0.05
    inp = {}
    inp['x'] = jax.random.normal(ks[0], (N, IN), dtype=jnp.float32)
    inp['edge_index'] = jax.random.randint(ks[1], (2, E), 0, N, dtype=jnp.int32)
    inp['edge_attr'] = jax.random.normal(ks[2], (E, DE), dtype=jnp.float32)
    inp['e1_w0'] = w(3, (DE, 128)); inp['e1_b0'] = w(4, (128,))
    inp['e1_w1'] = w(5, (128, 128)); inp['e1_b1'] = w(6, (128,))
    inp['e1_w2'] = w(7, (128, 128)); inp['e1_b2'] = w(8, (128,))
    inp['e1_w3'] = w(9, (128, IN * HID)); inp['e1_b3'] = w(10, (IN * HID,))
    inp['c1_root'] = w(11, (IN, HID)); inp['c1_bias'] = w(12, (HID,))
    inp['e2_w0'] = w(13, (DE, 128)); inp['e2_b0'] = w(14, (128,))
    inp['e2_w1'] = w(15, (128, 128)); inp['e2_b1'] = w(16, (128,))
    inp['e2_w2'] = w(17, (128, 128)); inp['e2_b2'] = w(18, (128,))
    inp['e2_w3'] = w(19, (128, HID * HID)); inp['e2_b3'] = w(20, (HID * HID,))
    inp['c2_root'] = w(21, (HID, HID)); inp['c2_bias'] = w(22, (HID,))
    inp['bn1_g'] = jnp.ones((HID,), jnp.float32); inp['bn1_b'] = jnp.zeros((HID,), jnp.float32)
    inp['bn2_g'] = jnp.ones((HID,), jnp.float32); inp['bn2_b'] = jnp.zeros((HID,), jnp.float32)
    inp['fc_w'] = w(23, (HID, DOUT)); inp['fc_b'] = w(24, (DOUT,))
    return inp


def reference(x, edge_index, edge_attr, e1_w0, e1_b0, e1_w1, e1_b1, e1_w2, e1_b2, e1_w3, e1_b3, c1_root, c1_bias, e2_w0, e2_b0, e2_w1, e2_b1, e2_w2, e2_b2, e2_w3, e2_b3, c2_root, c2_bias, bn1_g, bn1_b, bn2_g, bn2_b, fc_w, fc_b):
    src = edge_index[0]
    dst = edge_index[1]
    h = _nnconv(x, src, dst, edge_attr, (e1_w0, e1_b0, e1_w1, e1_b1, e1_w2, e1_b2, e1_w3, e1_b3), c1_root, c1_bias, IN, HID)
    h = jax.nn.relu(_bn(h, bn1_g, bn1_b))
    h = _nnconv(h, src, dst, edge_attr, (e2_w0, e2_b0, e2_w1, e2_b1, e2_w2, e2_b2, e2_w3, e2_b3), c2_root, c2_bias, HID, HID)
    h = jax.nn.relu(_bn(h, bn2_g, bn2_b))
    return h @ fc_w + fc_b

if __name__ == "__main__":
    import jax
    _d = setup_inputs()
    print(jax.jit(kernel)(*tuple(_d.values())))

</pallas_src>

<mosaic_0001>
#map = affine_map<(d0, d1) -> (0)>
#map1 = affine_map<(d0, d1) -> (0, 0)>
#map2 = affine_map<(d0, d1) -> (0, 0, 0)>
module attributes {stable_mosaic.version = 14 : i64} {
  func.func @scatter(%arg0: i32, %arg1: i32, %arg2: memref<160000xi32, #tpu.memory_space<hbm>>, %arg3: memref<160000x128xf32, #tpu.memory_space<hbm>>, %arg4: memref<2x1280x128xf32, #tpu.memory_space<hbm>>, %arg5: memref<128xi32, #tpu.memory_space<vmem>>, %arg6: memref<128xi32, #tpu.memory_space<vmem>>, %arg7: memref<128x128xf32, #tpu.memory_space<vmem>>, %arg8: memref<80x128xf32, #tpu.memory_space<vmem>>, %arg9: memref<1280x128xf32, #tpu.memory_space<vmem_shared>>) attributes {dimension_semantics = [#tpu.dimension_semantics<core_parallel>, #tpu.dimension_semantics<subcore_parallel>], iteration_bounds = array<i64: 2, 16>, scalar_prefetch = 0 : i64, scratch_operands = 5 : i64, tpu.core_type = #tpu.core_type<sc_vector_subcore>, window_params = [{transform_indices = #map}, {transform_indices = #map1}, {transform_indices = #map2}]} {
    %mul3A = arith.constant 2 : i32
    %mul3A_0 = arith.muli %arg1, %mul3A : i32
    %add3A = arith.addi %mul3A_0, %arg0 : i32
    %scan3A = arith.constant 0 : i32
    %scan3A_1 = arith.constant 0 : i32
    %scan3A_2 = arith.constant 80 : i32
    %scan3A_3 = arith.addi %scan3A_1, %scan3A_2 : i32
    %scan3A_4 = arith.constant 1 : i32
    scf.for %scan3A_19 = %scan3A_1 to %scan3A_3 step %scan3A_4  : i32 {
      %broadcast_in_dim3A = arith.constant 0.000000e+00 : f32
      %broadcast_in_dim3A_20 = vector.broadcast %broadcast_in_dim3A : f32 to vector<16xf32>
      %swap3A = arith.index_cast %scan3A_19 : i32 to index
      %swap3A_21 = arith.constant 0 : index
      %swap3A_22 = tpu.vector_load %arg8[%swap3A, %swap3A_21] {strides = array<i32>} : memref<80x128xf32, #tpu.memory_space<vmem>>, vector<1x16xf32>,
      %swap3A_23 = vector.shape_cast %swap3A_22 : vector<1x16xf32> to vector<16xf32>
      %swap3A_24 = vector.shape_cast %broadcast_in_dim3A_20 : vector<16xf32> to vector<1x16xf32>
      tpu.vector_store %arg8[%swap3A, %swap3A_21], %swap3A_24 {strides = array<i32>} : memref<80x128xf32, #tpu.memory_space<vmem>>, vector<1x16xf32>,
      %broadcast_in_dim3A_25 = arith.constant 0.000000e+00 : f32
      %broadcast_in_dim3A_26 = vector.broadcast %broadcast_in_dim3A_25 : f32 to vector<16xf32>
      %swap3A_27 = arith.index_cast %scan3A_19 : i32 to index
      %swap3A_28 = arith.constant 16 : index
      %swap3A_29 = tpu.vector_load %arg8[%swap3A_27, %swap3A_28] {strides = array<i32>} : memref<80x128xf32, #tpu.memory_space<vmem>>, vector<1x16xf32>,
      %swap3A_30 = vector.shape_cast %swap3A_29 : vector<1x16xf32> to vector<16xf32>
      %swap3A_31 = vector.shape_cast %broadcast_in_dim3A_26 : vector<16xf32> to vector<1x16xf32>
      tpu.vector_store %arg8[%swap3A_27, %swap3A_28], %swap3A_31 {strides = array<i32>} : memref<80x128xf32, #tpu.memory_space<vmem>>, vector<1x16xf32>,
      %broadcast_in_dim3A_32 = arith.constant 0.000000e+00 : f32
      %broadcast_in_dim3A_33 = vector.broadcast %broadcast_in_dim3A_32 : f32 to vector<16xf32>
      %swap3A_34 = arith.index_cast %scan3A_19 : i32 to index
      %swap3A_35 = arith.constant 32 : index
      %swap3A_36 = tpu.vector_load %arg8[%swap3A_34, %swap3A_35] {strides = array<i32>} : memref<80x128xf32, #tpu.memory_space<vmem>>, vector<1x16xf32>,
      %swap3A_37 = vector.shape_cast %swap3A_36 : vector<1x16xf32> to vector<16xf32>
      %swap3A_38 = vector.shape_cast %broadcast_in_dim3A_33 : vector<16xf32> to vector<1x16xf32>
      tpu.vector_store %arg8[%swap3A_34, %swap3A_35], %swap3A_38 {strides = array<i32>} : memref<80x128xf32, #tpu.memory_space<vmem>>, vector<1x16xf32>,
      %broadcast_in_dim3A_39 = arith.constant 0.000000e+00 : f32
      %broadcast_in_dim3A_40 = vector.broadcast %broadcast_in_dim3A_39 : f32 to vector<16xf32>
      %swap3A_41 = arith.index_cast %scan3A_19 : i32 to index
      %swap3A_42 = arith.constant 48 : index
      %swap3A_43 = tpu.vector_load %arg8[%swap3A_41, %swap3A_42] {strides = array<i32>} : memref<80x128xf32, #tpu.memory_space<vmem>>, vector<1x16xf32>,
      %swap3A_44 = vector.shape_cast %swap3A_43 : vector<1x16xf32> to vector<16xf32>
      %swap3A_45 = vector.shape_cast %broadcast_in_dim3A_40 : vector<16xf32> to vector<1x16xf32>
      tpu.vector_store %arg8[%swap3A_41, %swap3A_42], %swap3A_45 {strides = array<i32>} : memref<80x128xf32, #tpu.memory_space<vmem>>, vector<1x16xf32>,
      %broadcast_in_dim3A_46 = arith.constant 0.000000e+00 : f32
      %broadcast_in_dim3A_47 = vector.broadcast %broadcast_in_dim3A_46 : f32 to vector<16xf32>
      %swap3A_48 = arith.index_cast %scan3A_19 : i32 to index
      %swap3A_49 = arith.constant 64 : index
      %swap3A_50 = tpu.vector_load %arg8[%swap3A_48, %swap3A_49] {strides = array<i32>} : memref<80x128xf32, #tpu.memory_space<vmem>>, vector<1x16xf32>,
      %swap3A_51 = vector.shape_cast %swap3A_50 : vector<1x16xf32> to vector<16xf32>
      %swap3A_52 = vector.shape_cast %broadcast_in_dim3A_47 : vector<16xf32> to vector<1x16xf32>
      tpu.vector_store %arg8[%swap3A_48, %swap3A_49], %swap3A_52 {strides = array<i32>} : memref<80x128xf32, #tpu.memory_space<vmem>>, vector<1x16xf32>,
      %broadcast_in_dim3A_53 = arith.constant 0.000000e+00 : f32
      %broadcast_in_dim3A_54 = vector.broadcast %broadcast_in_dim3A_53 : f32 to vector<16xf32>
      %swap3A_55 = arith.index_cast %scan3A_19 : i32 to index
      %swap3A_56 = arith.constant 80 : index
      %swap3A_57 = tpu.vector_load %arg8[%swap3A_55, %swap3A_56] {strides = array<i32>} : memref<80x128xf32, #tpu.memory_space<vmem>>, vector<1x16xf32>,
      %swap3A_58 = vector.shape_cast %swap3A_57 : vector<1x16xf32> to vector<16xf32>
      %swap3A_59 = vector.shape_cast %broadcast_in_dim3A_54 : vector<16xf32> to vector<1x16xf32>
      tpu.vector_store %arg8[%swap3A_55, %swap3A_56], %swap3A_59 {strides = array<i32>} : memref<80x128xf32, #tpu.memory_space<vmem>>, vector<1x16xf32>,
      %broadcast_in_dim3A_60 = arith.constant 0.000000e+00 : f32
      %broadcast_in_dim3A_61 = vector.broadcast %broadcast_in_dim3A_60 : f32 to vector<16xf32>
      %swap3A_62 = arith.index_cast %scan3A_19 : i32 to index
      %swap3A_63 = arith.constant 96 : index
      %swap3A_64 = tpu.vector_load %arg8[%swap3A_62, %swap3A_63] {strides = array<i32>} : memref<80x128xf32, #tpu.memory_space<vmem>>, vector<1x16xf32>,
      %swap3A_65 = vector.shape_cast %swap3A_64 : vector<1x16xf32> to vector<16xf32>
      %swap3A_66 = vector.shape_cast %broadcast_in_dim3A_61 : vector<16xf32> to vector<1x16xf32>
      tpu.vector_store %arg8[%swap3A_62, %swap3A_63], %swap3A_66 {strides = array<i32>} : memref<80x128xf32, #tpu.memory_space<vmem>>, vector<1x16xf32>,
      %broadcast_in_dim3A_67 = arith.constant 0.000000e+00 : f32
      %broadcast_in_dim3A_68 = vector.broadcast %broadcast_in_dim3A_67 : f32 to vector<16xf32>
      %swap3A_69 = arith.index_cast %scan3A_19 : i32 to index
      %swap3A_70 = arith.constant 112 : index
      %swap3A_71 = tpu.vector_load %arg8[%swap3A_69, %swap3A_70] {strides = array<i32>} : memref<80x128xf32, #tpu.memory_space<vmem>>, vector<1x16xf32>,
      %swap3A_72 = vector.shape_cast %swap3A_71 : vector<1x16xf32> to vector<16xf32>
      %swap3A_73 = vector.shape_cast %broadcast_in_dim3A_68 : vector<16xf32> to vector<1x16xf32>
      tpu.vector_store %arg8[%swap3A_69, %swap3A_70], %swap3A_73 {strides = array<i32>} : memref<80x128xf32, #tpu.memory_space<vmem>>, vector<1x16xf32>,
    }
    %scan3A_5 = arith.constant 80 : i32
    %mul3A_6 = arith.constant 80 : i32
    %mul3A_7 = arith.muli %arg1, %mul3A_6 : i32
    "tpu.region"() ({
      %run_scoped3A = tpu.sem_alloc : memref<!tpu.dma_semaphore, #tpu.memory_space<semaphore_mem>>
      %dma_start3A = arith.constant 0 : i32
      %dma_start3A_19 = tpu.memref_slice %arg9[%mul3A_7, %dma_start3A] : memref<1280x128xf32, #tpu.memory_space<vmem_shared>> -> memref<80x128xf32, #tpu.memory_space<vmem_shared>>
      %dma_start3A_20 = arith.constant 0 : i32
      %dma_start3A_21 = tpu.memref_slice %arg9[%mul3A_7, %dma_start3A_20] : memref<1280x128xf32, #tpu.memory_space<vmem_shared>> -> memref<80x128xf32, #tpu.memory_space<vmem_shared>>
      tpu.enqueue_dma source(%arg8 : memref<80x128xf32, #tpu.memory_space<vmem>>) target(%dma_start3A_21 : memref<80x128xf32, #tpu.memory_space<vmem_shared>>) target_semaphore(%run_scoped3A : memref<!tpu.dma_semaphore, #tpu.memory_space<semaphore_mem>>)
      %dma_wait3A = arith.constant 0 : i32
      %dma_wait3A_22 = tpu.memref_slice %arg9[%mul3A_7, %dma_wait3A] : memref<1280x128xf32, #tpu.memory_space<vmem_shared>> -> memref<80x128xf32, #tpu.memory_space<vmem_shared>>
      %dma_wait3A_23 = arith.constant 0 : i32
      %dma_wait3A_24 = tpu.memref_slice %arg9[%mul3A_7, %dma_wait3A_23] : memref<1280x128xf32, #tpu.memory_space<vmem_shared>> -> memref<80x128xf32, #tpu.memory_space<vmem_shared>>
      tpu.wait_dma2 semaphore(%run_scoped3A : memref<!tpu.dma_semaphore, #tpu.memory_space<semaphore_mem>>) src(%arg8 : memref<80x128xf32, #tpu.memory_space<vmem>>) dst(%dma_wait3A_24 : memref<80x128xf32, #tpu.memory_space<vmem_shared>>)
      tpu.yield
    }) : () -> ()
    %barrier3A = arith.constant 0 : index
    tpu.barrier barrier_id(%barrier3A)
    %scan3A_8 = arith.constant 0 : i32
    %scan3A_9 = arith.constant 0 : i32
    %scan3A_10 = arith.constant 40 : i32
    %scan3A_11 = arith.addi %scan3A_9, %scan3A_10 : i32
    %scan3A_12 = arith.constant 1 : i32
    scf.for %scan3A_19 = %scan3A_9 to %scan3A_11 step %scan3A_12  : i32 {
      %mul3A_20 = arith.constant 32 : i32
      %mul3A_21 = arith.muli %scan3A_19, %mul3A_20 : i32
      %add3A_22 = arith.addi %mul3A_21, %add3A : i32
      %lt3A = arith.constant 1250 : i32
      %lt3A_23 = arith.cmpi slt, %add3A_22, %lt3A : i32
      %convert_element_type3A = arith.extui %lt3A_23 : i1 to i32
      %cond3A = arith.constant 0 : i32
      %cond3A_24 = arith.cmpi ne, %convert_element_type3A, %cond3A : i32
      scf.if %cond3A_24 {
        %mul3A_25 = arith.constant 128 : i32
        %mul3A_26 = arith.muli %add3A_22, %mul3A_25 : i32
        "tpu.region"() ({
          %run_scoped3A = tpu.sem_alloc : memref<!tpu.dma_semaphore, #tpu.memory_space<semaphore_mem>>
          %dma_start3A = tpu.memref_slice %arg2[%mul3A_26] : memref<160000xi32, #tpu.memory_space<hbm>> -> memref<128xi32, #tpu.memory_space<hbm>>
          %dma_start3A_104 = tpu.memref_slice %arg2[%mul3A_26] : memref<160000xi32, #tpu.memory_space<hbm>> -> memref<128xi32, #tpu.memory_space<hbm>>
          tpu.enqueue_dma source(%dma_start3A_104 : memref<128xi32, #tpu.memory_space<hbm>>) target(%arg5 : memref<128xi32, #tpu.memory_space<vmem>>) target_semaphore(%run_scoped3A : memref<!tpu.dma_semaphore, #tpu.memory_space<semaphore_mem>>)
          %dma_wait3A = tpu.memref_slice %arg2[%mul3A_26] : memref<160000xi32, #tpu.memory_space<hbm>> -> memref<128xi32, #tpu.memory_space<hbm>>
          %dma_wait3A_105 = tpu.memref_slice %arg2[%mul3A_26] : memref<160000xi32, #tpu.memory_space<hbm>> -> memref<128xi32, #tpu.memory_space<hbm>>
          tpu.wait_dma2 semaphore(%run_scoped3A : memref<!tpu.dma_semaphore, #tpu.memory_space<semaphore_mem>>) src(%dma_wait3A_105 : memref<128xi32, #tpu.memory_space<hbm>>) dst(%arg5 : memref<128xi32, #tpu.memory_space<vmem>>)
          tpu.yield
        }) : () -> ()
        %get3A = arith.constant 0 : index
        %get3A_27 = tpu.vector_load %arg5[%get3A] {strides = array<i32>} : memref<128xi32, #tpu.memory_space<vmem>>, vector<16xi32>,
        %get3A_28 = vector.shape_cast %get3A_27 : vector<16xi32> to vector<16xi32>
        %shift_right_logical3A = arith.constant 3 : i32
        %shift_right_logical3A_29 = vector.broadcast %shift_right_logical3A : i32 to vector<16xi32>
        %shift_right_logical3A_30 = arith.shrui %get3A_28, %shift_right_logical3A_29 : vector<16xi32>
        %swap3A = arith.constant 0 : index
        %swap3A_31 = tpu.vector_load %arg6[%swap3A] {strides = array<i32>} : memref<128xi32, #tpu.memory_space<vmem>>, vector<16xi32>,
        %swap3A_32 = vector.shape_cast %swap3A_31 : vector<16xi32> to vector<16xi32>
        %swap3A_33 = vector.shape_cast %shift_right_logical3A_30 : vector<16xi32> to vector<16xi32>
        tpu.vector_store %arg6[%swap3A], %swap3A_33 {strides = array<i32>} : memref<128xi32, #tpu.memory_space<vmem>>, vector<16xi32>,
        %get3A_34 = arith.constant 16 : index
        %get3A_35 = tpu.vector_load %arg5[%get3A_34] {strides = array<i32>} : memref<128xi32, #tpu.memory_space<vmem>>, vector<16xi32>,
        %get3A_36 = vector.shape_cast %get3A_35 : vector<16xi32> to vector<16xi32>
        %shift_right_logical3A_37 = arith.constant 3 : i32
        %shift_right_logical3A_38 = vector.broadcast %shift_right_logical3A_37 : i32 to vector<16xi32>
        %shift_right_logical3A_39 = arith.shrui %get3A_36, %shift_right_logical3A_38 : vector<16xi32>
        %swap3A_40 = arith.constant 16 : index
        %swap3A_41 = tpu.vector_load %arg6[%swap3A_40] {strides = array<i32>} : memref<128xi32, #tpu.memory_space<vmem>>, vector<16xi32>,
        %swap3A_42 = vector.shape_cast %swap3A_41 : vector<16xi32> to vector<16xi32>
        %swap3A_43 = vector.shape_cast %shift_right_logical3A_39 : vector<16xi32> to vector<16xi32>
        tpu.vector_store %arg6[%swap3A_40], %swap3A_43 {strides = array<i32>} : memref<128xi32, #tpu.memory_space<vmem>>, vector<16xi32>,
        %get3A_44 = arith.constant 32 : index
        %get3A_45 = tpu.vector_load %arg5[%get3A_44] {strides = array<i32>} : memref<128xi32, #tpu.memory_space<vmem>>, vector<16xi32>,
        %get3A_46 = vector.shape_cast %get3A_45 : vector<16xi32> to vector<16xi32>
        %shift_right_logical3A_47 = arith.constant 3 : i32
        %shift_right_logical3A_48 = vector.broadcast %shift_right_logical3A_47 : i32 to vector<16xi32>
        %shift_right_logical3A_49 = arith.shrui %get3A_46, %shift_right_logical3A_48 : vector<16xi32>
        %swap3A_50 = arith.constant 32 : index
        %swap3A_51 = tpu.vector_load %arg6[%swap3A_50] {strides = array<i32>} : memref<128xi32, #tpu.memory_space<vmem>>, vector<16xi32>,
        %swap3A_52 = vector.shape_cast %swap3A_51 : vector<16xi32> to vector<16xi32>
        %swap3A_53 = vector.shape_cast %shift_right_logical3A_49 : vector<16xi32> to vector<16xi32>
        tpu.vector_store %arg6[%swap3A_50], %swap3A_53 {strides = array<i32>} : memref<128xi32, #tpu.memory_space<vmem>>, vector<16xi32>,
        %get3A_54 = arith.constant 48 : index
        %get3A_55 = tpu.vector_load %arg5[%get3A_54] {strides = array<i32>} : memref<128xi32, #tpu.memory_space<vmem>>, vector<16xi32>,
        %get3A_56 = vector.shape_cast %get3A_55 : vector<16xi32> to vector<16xi32>
        %shift_right_logical3A_57 = arith.constant 3 : i32
        %shift_right_logical3A_58 = vector.broadcast %shift_right_logical3A_57 : i32 to vector<16xi32>
        %shift_right_logical3A_59 = arith.shrui %get3A_56, %shift_right_logical3A_58 : vector<16xi32>
        %swap3A_60 = arith.constant 48 : index
        %swap3A_61 = tpu.vector_load %arg6[%swap3A_60] {strides = array<i32>} : memref<128xi32, #tpu.memory_space<vmem>>, vector<16xi32>,
        %swap3A_62 = vector.shape_cast %swap3A_61 : vector<16xi32> to vector<16xi32>
        %swap3A_63 = vector.shape_cast %shift_right_logical3A_59 : vector<16xi32> to vector<16xi32>
        tpu.vector_store %arg6[%swap3A_60], %swap3A_63 {strides = array<i32>} : memref<128xi32, #tpu.memory_space<vmem>>, vector<16xi32>,
        %get3A_64 = arith.constant 64 : index
        %get3A_65 = tpu.vector_load %arg5[%get3A_64] {strides = array<i32>} : memref<128xi32, #tpu.memory_space<vmem>>, vector<16xi32>,
        %get3A_66 = vector.shape_cast %get3A_65 : vector<16xi32> to vector<16xi32>
        %shift_right_logical3A_67 = arith.constant 3 : i32
        %shift_right_logical3A_68 = vector.broadcast %shift_right_logical3A_67 : i32 to vector<16xi32>
        %shift_right_logical3A_69 = arith.shrui %get3A_66, %shift_right_logical3A_68 : vector<16xi32>
        %swap3A_70 = arith.constant 64 : index
        %swap3A_71 = tpu.vector_load %arg6[%swap3A_70] {strides = array<i32>} : memref<128xi32, #tpu.memory_space<vmem>>, vector<16xi32>,
        %swap3A_72 = vector.shape_cast %swap3A_71 : vector<16xi32> to vector<16xi32>
        %swap3A_73 = vector.shape_cast %shift_right_logical3A_69 : vector<16xi32> to vector<16xi32>
        tpu.vector_store %arg6[%swap3A_70], %swap3A_73 {strides = array<i32>} : memref<128xi32, #tpu.memory_space<vmem>>, vector<16xi32>,
        %get3A_74 = arith.constant 80 : index
        %get3A_75 = tpu.vector_load %arg5[%get3A_74] {strides = array<i32>} : memref<128xi32, #tpu.memory_space<vmem>>, vector<16xi32>,
        %get3A_76 = vector.shape_cast %get3A_75 : vector<16xi32> to vector<16xi32>
        %shift_right_logical3A_77 = arith.constant 3 : i32
        %shift_right_logical3A_78 = vector.broadcast %shift_right_logical3A_77 : i32 to vector<16xi32>
        %shift_right_logical3A_79 = arith.shrui %get3A_76, %shift_right_logical3A_78 : vector<16xi32>
        %swap3A_80 = arith.constant 80 : index
        %swap3A_81 = tpu.vector_load %arg6[%swap3A_80] {strides = array<i32>} : memref<128xi32, #tpu.memory_space<vmem>>, vector<16xi32>,
        %swap3A_82 = vector.shape_cast %swap3A_81 : vector<16xi32> to vector<16xi32>
        %swap3A_83 = vector.shape_cast %shift_right_logical3A_79 : vector<16xi32> to vector<16xi32>
        tpu.vector_store %arg6[%swap3A_80], %swap3A_83 {strides = array<i32>} : memref<128xi32, #tpu.memory_space<vmem>>, vector<16xi32>,
        %get3A_84 = arith.constant 96 : index
        %get3A_85 = tpu.vector_load %arg5[%get3A_84] {strides = array<i32>} : memref<128xi32, #tpu.memory_space<vmem>>, vector<16xi32>,
        %get3A_86 = vector.shape_cast %get3A_85 : vector<16xi32> to vector<16xi32>
        %shift_right_logical3A_87 = arith.constant 3 : i32
        %shift_right_logical3A_88 = vector.broadcast %shift_right_logical3A_87 : i32 to vector<16xi32>
        %shift_right_logical3A_89 = arith.shrui %get3A_86, %shift_right_logical3A_88 : vector<16xi32>
        %swap3A_90 = arith.constant 96 : index
        %swap3A_91 = tpu.vector_load %arg6[%swap3A_90] {strides = array<i32>} : memref<128xi32, #tpu.memory_space<vmem>>, vector<16xi32>,
        %swap3A_92 = vector.shape_cast %swap3A_91 : vector<16xi32> to vector<16xi32>
        %swap3A_93 = vector.shape_cast %shift_right_logical3A_89 : vector<16xi32> to vector<16xi32>
        tpu.vector_store %arg6[%swap3A_90], %swap3A_93 {strides = array<i32>} : memref<128xi32, #tpu.memory_space<vmem>>, vector<16xi32>,
        %get3A_94 = arith.constant 112 : index
        %get3A_95 = tpu.vector_load %arg5[%get3A_94] {strides = array<i32>} : memref<128xi32, #tpu.memory_space<vmem>>, vector<16xi32>,
        %get3A_96 = vector.shape_cast %get3A_95 : vector<16xi32> to vector<16xi32>
        %shift_right_logical3A_97 = arith.constant 3 : i32
        %shift_right_logical3A_98 = vector.broadcast %shift_right_logical3A_97 : i32 to vector<16xi32>
        %shift_right_logical3A_99 = arith.shrui %get3A_96, %shift_right_logical3A_98 : vector<16xi32>
        %swap3A_100 = arith.constant 112 : index
        %swap3A_101 = tpu.vector_load %arg6[%swap3A_100] {strides = array<i32>} : memref<128xi32, #tpu.memory_space<vmem>>, vector<16xi32>,
        %swap3A_102 = vector.shape_cast %swap3A_101 : vector<16xi32> to vector<16xi32>
        %swap3A_103 = vector.shape_cast %shift_right_logical3A_99 : vector<16xi32> to vector<16xi32>
        tpu.vector_store %arg6[%swap3A_100], %swap3A_103 {strides = array<i32>} : memref<128xi32, #tpu.memory_space<vmem>>, vector<16xi32>,
        "tpu.region"() ({
          %run_scoped3A = tpu.sem_alloc : memref<!tpu.dma_semaphore, #tpu.memory_space<semaphore_mem>>
          %dma_start3A = arith.constant 0 : i32
          %dma_start3A_104 = tpu.memref_slice %arg3[%mul3A_26, %dma_start3A] : memref<160000x128xf32, #tpu.memory_space<hbm>> -> memref<128x128xf32, #tpu.memory_space<hbm>>
          %dma_start3A_105 = arith.constant 0 : i32
          %dma_start3A_106 = tpu.memref_slice %arg3[%mul3A_26, %dma_start3A_105] : memref<160000x128xf32, #tpu.memory_space<hbm>> -> memref<128x128xf32, #tpu.memory_space<hbm>>
          tpu.enqueue_dma source(%dma_start3A_106 : memref<128x128xf32, #tpu.memory_space<hbm>>) target(%arg7 : memref<128x128xf32, #tpu.memory_space<vmem>>) target_semaphore(%run_scoped3A : memref<!tpu.dma_semaphore, #tpu.memory_space<semaphore_mem>>)
          %dma_wait3A = arith.constant 0 : i32
          %dma_wait3A_107 = tpu.memref_slice %arg3[%mul3A_26, %dma_wait3A] : memref<160000x128xf32, #tpu.memory_space<hbm>> -> memref<128x128xf32, #tpu.memory_space<hbm>>
          %dma_wait3A_108 = arith.constant 0 : i32
          %dma_wait3A_109 = tpu.memref_slice %arg3[%mul3A_26, %dma_wait3A_108] : memref<160000x128xf32, #tpu.memory_space<hbm>> -> memref<128x128xf32, #tpu.memory_space<hbm>>
          tpu.wait_dma2 semaphore(%run_scoped3A : memref<!tpu.dma_semaphore, #tpu.memory_space<semaphore_mem>>) src(%dma_wait3A_109 : memref<128x128xf32, #tpu.memory_space<hbm>>) dst(%arg7 : memref<128x128xf32, #tpu.memory_space<vmem>>)
          tpu.yield
        }) : () -> ()
        "tpu.region"() ({
          %run_scoped3A = tpu.sem_alloc : memref<!tpu.dma_semaphore, #tpu.memory_space<semaphore_mem>>
          %dma_start3A = arith.constant 0 : i32
          %dma_start3A_104 = arith.constant 0 : i32
          %dma_start3A_105 = tpu.memref_slice %arg9[%dma_start3A, %dma_start3A_104] : memref<1280x128xf32, #tpu.memory_space<vmem_shared>> -> memref<1280x128xf32, #tpu.memory_space<vmem_shared>>
          tpu.enqueue_indirect_dma source(%arg7 : memref<128x128xf32, #tpu.memory_space<vmem>>) target(%dma_start3A_105 : memref<1280x128xf32, #tpu.memory_space<vmem_shared>>) offsets(%arg6 : memref<128xi32, #tpu.memory_space<vmem>>) semaphore(%run_scoped3A : memref<!tpu.dma_semaphore, #tpu.memory_space<semaphore_mem>>) {add = true}
          %dma_wait3A = arith.constant 0 : i32
          %dma_wait3A_106 = arith.constant 0 : i32
          %dma_wait3A_107 = tpu.memref_slice %arg9[%dma_wait3A, %dma_wait3A_106] : memref<1280x128xf32, #tpu.memory_space<vmem_shared>> -> memref<1280x128xf32, #tpu.memory_space<vmem_shared>>
          tpu.wait_indirect_dma semaphore(%run_scoped3A : memref<!tpu.dma_semaphore, #tpu.memory_space<semaphore_mem>>) src(%arg7 : memref<128x128xf32, #tpu.memory_space<vmem>>) dst(%dma_wait3A_107 : memref<1280x128xf32, #tpu.memory_space<vmem_shared>>)
          tpu.yield
        }) : () -> ()
      } else {
      }
    }
    %scan3A_13 = arith.constant 40 : i32
    %barrier3A_14 = arith.constant 0 : index
    tpu.barrier barrier_id(%barrier3A_14)
    %mul3A_15 = arith.constant 80 : i32
    %mul3A_16 = arith.muli %arg1, %mul3A_15 : i32
    "tpu.region"() ({
      %run_scoped3A = tpu.sem_alloc : memref<!tpu.dma_semaphore, #tpu.memory_space<semaphore_mem>>
      %dma_start3A = arith.constant 0 : i32
      %dma_start3A_19 = tpu.memref_slice %arg9[%mul3A_16, %dma_start3A] : memref<1280x128xf32, #tpu.memory_space<vmem_shared>> -> memref<80x128xf32, #tpu.memory_space<vmem_shared>>
      %dma_start3A_20 = arith.constant 0 : i32
      %dma_start3A_21 = tpu.memref_slice %arg9[%mul3A_16, %dma_start3A_20] : memref<1280x128xf32, #tpu.memory_space<vmem_shared>> -> memref<80x128xf32, #tpu.memory_space<vmem_shared>>
      tpu.enqueue_dma source(%dma_start3A_21 : memref<80x128xf32, #tpu.memory_space<vmem_shared>>) target(%arg8 : memref<80x128xf32, #tpu.memory_space<vmem>>) target_semaphore(%run_scoped3A : memref<!tpu.dma_semaphore, #tpu.memory_space<semaphore_mem>>)
      %dma_wait3A = arith.constant 0 : i32
      %dma_wait3A_22 = tpu.memref_slice %arg9[%mul3A_16, %dma_wait3A] : memref<1280x128xf32, #tpu.memory_space<vmem_shared>> -> memref<80x128xf32, #tpu.memory_space<vmem_shared>>
      %dma_wait3A_23 = arith.constant 0 : i32
      %dma_wait3A_24 = tpu.memref_slice %arg9[%mul3A_16, %dma_wait3A_23] : memref<1280x128xf32, #tpu.memory_space<vmem_shared>> -> memref<80x128xf32, #tpu.memory_space<vmem_shared>>
      tpu.wait_dma2 semaphore(%run_scoped3A : memref<!tpu.dma_semaphore, #tpu.memory_space<semaphore_mem>>) src(%dma_wait3A_24 : memref<80x128xf32, #tpu.memory_space<vmem_shared>>) dst(%arg8 : memref<80x128xf32, #tpu.memory_space<vmem>>)
      tpu.yield
    }) : () -> ()
    %mul3A_17 = arith.constant 80 : i32
    %mul3A_18 = arith.muli %arg1, %mul3A_17 : i32
    "tpu.region"() ({
      %run_scoped3A = tpu.sem_alloc : memref<!tpu.dma_semaphore, #tpu.memory_space<semaphore_mem>>
      %dma_start3A = arith.constant 0 : i32
      %dma_start3A_19 = tpu.memref_slice %arg4[%arg0, %mul3A_18, %dma_start3A] : memref<2x1280x128xf32, #tpu.memory_space<hbm>> -> memref<1x80x128xf32, #tpu.memory_space<hbm>>
      %dma_start3A_20 = tpu.memref_squeeze %dma_start3A_19 : memref<1x80x128xf32, #tpu.memory_space<hbm>> -> memref<80x128xf32, #tpu.memory_space<hbm>>
      %dma_start3A_21 = arith.constant 0 : i32
      %dma_start3A_22 = tpu.memref_slice %arg4[%arg0, %mul3A_18, %dma_start3A_21] : memref<2x1280x128xf32, #tpu.memory_space<hbm>> -> memref<1x80x128xf32, #tpu.memory_space<hbm>>
      %dma_start3A_23 = tpu.memref_squeeze %dma_start3A_22 : memref<1x80x128xf32, #tpu.memory_space<hbm>> -> memref<80x128xf32, #tpu.memory_space<hbm>>
      tpu.enqueue_dma source(%arg8 : memref<80x128xf32, #tpu.memory_space<vmem>>) target(%dma_start3A_23 : memref<80x128xf32, #tpu.memory_space<hbm>>) target_semaphore(%run_scoped3A : memref<!tpu.dma_semaphore, #tpu.memory_space<semaphore_mem>>)
      %dma_wait3A = arith.constant 0 : i32
      %dma_wait3A_24 = tpu.memref_slice %arg4[%arg0, %mul3A_18, %dma_wait3A] : memref<2x1280x128xf32, #tpu.memory_space<hbm>> -> memref<1x80x128xf32, #tpu.memory_space<hbm>>
      %dma_wait3A_25 = tpu.memref_squeeze %dma_wait3A_24 : memref<1x80x128xf32, #tpu.memory_space<hbm>> -> memref<80x128xf32, #tpu.memory_space<hbm>>
      %dma_wait3A_26 = arith.constant 0 : i32
      %dma_wait3A_27 = tpu.memref_slice %arg4[%arg0, %mul3A_18, %dma_wait3A_26] : memref<2x1280x128xf32, #tpu.memory_space<hbm>> -> memref<1x80x128xf32, #tpu.memory_space<hbm>>
      %dma_wait3A_28 = tpu.memref_squeeze %dma_wait3A_27 : memref<1x80x128xf32, #tpu.memory_space<hbm>> -> memref<80x128xf32, #tpu.memory_space<hbm>>
      tpu.wait_dma2 semaphore(%run_scoped3A : memref<!tpu.dma_semaphore, #tpu.memory_space<semaphore_mem>>) src(%arg8 : memref<80x128xf32, #tpu.memory_space<vmem>>) dst(%dma_wait3A_28 : memref<80x128xf32, #tpu.memory_space<hbm>>)
      tpu.yield
    }) : () -> ()
    return
  }
}

#map = affine_map<(d0, d1) -> (0, 0)>
#map1 = affine_map<(d0, d1) -> (0)>
module attributes {stable_mosaic.version = 14 : i64} {
  func.func @gather(%arg0: i32, %arg1: i32, %arg2: memref<10000x128xf32, #tpu.memory_space<hbm>>, %arg3: memref<160000xi32, #tpu.memory_space<hbm>>, %arg4: memref<160000x128xf32, #tpu.memory_space<hbm>>, %arg5: memref<128xi32, #tpu.memory_space<vmem>>, %arg6: memref<128x128xf32, #tpu.memory_space<vmem>>, %arg7: memref<!tpu.dma_semaphore, #tpu.memory_space<semaphore_mem>>) attributes {dimension_semantics = [#tpu.dimension_semantics<core_parallel>, #tpu.dimension_semantics<subcore_parallel>], iteration_bounds = array<i64: 2, 16>, scalar_prefetch = 0 : i64, scratch_operands = 3 : i64, tpu.core_type = #tpu.core_type<sc_vector_subcore>, window_params = [{transform_indices = #map}, {transform_indices = #map1}, {transform_indices = #map}]} {
    %mul3A = arith.constant 2 : i32
    %mul3A_0 = arith.muli %arg1, %mul3A : i32
    %add3A = arith.addi %mul3A_0, %arg0 : i32
    %scan3A = arith.constant 0 : i32
    %scan3A_1 = arith.constant 0 : i32
    %scan3A_2 = arith.constant 40 : i32
    %scan3A_3 = arith.addi %scan3A_1, %scan3A_2 : i32
    %scan3A_4 = arith.constant 1 : i32
    scf.for %scan3A_6 = %scan3A_1 to %scan3A_3 step %scan3A_4  : i32 {
      %mul3A_7 = arith.constant 32 : i32
      %mul3A_8 = arith.muli %scan3A_6, %mul3A_7 : i32
      %add3A_9 = arith.addi %mul3A_8, %add3A : i32
      %lt3A = arith.constant 1250 : i32
      %lt3A_10 = arith.cmpi slt, %add3A_9, %lt3A : i32
      %convert_element_type3A = arith.extui %lt3A_10 : i1 to i32
      %cond3A = arith.constant 0 : i32
      %cond3A_11 = arith.cmpi ne, %convert_element_type3A, %cond3A : i32
      scf.if %cond3A_11 {
        %mul3A_12 = arith.constant 128 : i32
        %mul3A_13 = arith.muli %add3A_9, %mul3A_12 : i32
        "tpu.region"() ({
          %run_scoped3A = tpu.sem_alloc : memref<!tpu.dma_semaphore, #tpu.memory_space<semaphore_mem>>
          %dma_start3A_18 = tpu.memref_slice %arg3[%mul3A_13] : memref<160000xi32, #tpu.memory_space<hbm>> -> memref<128xi32, #tpu.memory_space<hbm>>
          %dma_start3A_19 = tpu.memref_slice %arg3[%mul3A_13] : memref<160000xi32, #tpu.memory_space<hbm>> -> memref<128xi32, #tpu.memory_space<hbm>>
          tpu.enqueue_dma source(%dma_start3A_19 : memref<128xi32, #tpu.memory_space<hbm>>) target(%arg5 : memref<128xi32, #tpu.memory_space<vmem>>) target_semaphore(%run_scoped3A : memref<!tpu.dma_semaphore, #tpu.memory_space<semaphore_mem>>)
          %dma_wait3A_20 = tpu.memref_slice %arg3[%mul3A_13] : memref<160000xi32, #tpu.memory_space<hbm>> -> memref<128xi32, #tpu.memory_space<hbm>>
          %dma_wait3A_21 = tpu.memref_slice %arg3[%mul3A_13] : memref<160000xi32, #tpu.memory_space<hbm>> -> memref<128xi32, #tpu.memory_space<hbm>>
          tpu.wait_dma2 semaphore(%run_scoped3A : memref<!tpu.dma_semaphore, #tpu.memory_space<semaphore_mem>>) src(%dma_wait3A_21 : memref<128xi32, #tpu.memory_space<hbm>>) dst(%arg5 : memref<128xi32, #tpu.memory_space<vmem>>)
          tpu.yield
        }) : () -> ()
        %dma_start3A = arith.constant 0 : i32
        %dma_start3A_14 = arith.constant 0 : i32
        %dma_start3A_15 = tpu.memref_slice %arg2[%dma_start3A, %dma_start3A_14] : memref<10000x128xf32, #tpu.memory_space<hbm>> -> memref<10000x128xf32, #tpu.memory_space<hbm>>
        tpu.enqueue_indirect_dma source(%dma_start3A_15 : memref<10000x128xf32, #tpu.memory_space<hbm>>) target(%arg6 : memref<128x128xf32, #tpu.memory_space<vmem>>) offsets(%arg5 : memref<128xi32, #tpu.memory_space<vmem>>) semaphore(%arg7 : memref<!tpu.dma_semaphore, #tpu.memory_space<semaphore_mem>>)
        %dma_wait3A = arith.constant 0 : i32
        %dma_wait3A_16 = arith.constant 0 : i32
        %dma_wait3A_17 = tpu.memref_slice %arg2[%dma_wait3A, %dma_wait3A_16] : memref<10000x128xf32, #tpu.memory_space<hbm>> -> memref<10000x128xf32, #tpu.memory_space<hbm>>
        tpu.wait_indirect_dma semaphore(%arg7 : memref<!tpu.dma_semaphore, #tpu.memory_space<semaphore_mem>>) src(%dma_wait3A_17 : memref<10000x128xf32, #tpu.memory_space<hbm>>) dst(%arg6 : memref<128x128xf32, #tpu.memory_space<vmem>>)
        "tpu.region"() ({
          %run_scoped3A = tpu.sem_alloc : memref<!tpu.dma_semaphore, #tpu.memory_space<semaphore_mem>>
          %dma_start3A_18 = arith.constant 0 : i32
          %dma_start3A_19 = tpu.memref_slice %arg4[%mul3A_13, %dma_start3A_18] : memref<160000x128xf32, #tpu.memory_space<hbm>> -> memref<128x128xf32, #tpu.memory_space<hbm>>
          %dma_start3A_20 = arith.constant 0 : i32
          %dma_start3A_21 = tpu.memref_slice %arg4[%mul3A_13, %dma_start3A_20] : memref<160000x128xf32, #tpu.memory_space<hbm>> -> memref<128x128xf32, #tpu.memory_space<hbm>>
          tpu.enqueue_dma source(%arg6 : memref<128x128xf32, #tpu.memory_space<vmem>>) target(%dma_start3A_21 : memref<128x128xf32, #tpu.memory_space<hbm>>) target_semaphore(%run_scoped3A : memref<!tpu.dma_semaphore, #tpu.memory_space<semaphore_mem>>)
          %dma_wait3A_22 = arith.constant 0 : i32
          %dma_wait3A_23 = tpu.memref_slice %arg4[%mul3A_13, %dma_wait3A_22] : memref<160000x128xf32, #tpu.memory_space<hbm>> -> memref<128x128xf32, #tpu.memory_space<hbm>>
          %dma_wait3A_24 = arith.constant 0 : i32
          %dma_wait3A_25 = tpu.memref_slice %arg4[%mul3A_13, %dma_wait3A_24] : memref<160000x128xf32, #tpu.memory_space<hbm>> -> memref<128x128xf32, #tpu.memory_space<hbm>>
          tpu.wait_dma2 semaphore(%run_scoped3A : memref<!tpu.dma_semaphore, #tpu.memory_space<semaphore_mem>>) src(%arg6 : memref<128x128xf32, #tpu.memory_space<vmem>>) dst(%dma_wait3A_25 : memref<128x128xf32, #tpu.memory_space<hbm>>)
          tpu.yield
        }) : () -> ()
      } else {
      }
    }
    %scan3A_5 = arith.constant 40 : i32
    return
  }
}

#map = affine_map<(d0, d1) -> (0)>
#map1 = affine_map<(d0, d1) -> (0, 0)>
#map2 = affine_map<(d0, d1) -> (0, 0, 0)>
module attributes {stable_mosaic.version = 14 : i64} {
  func.func @scatter(%arg0: i32, %arg1: i32, %arg2: memref<160000xi32, #tpu.memory_space<hbm>>, %arg3: memref<160000x128xf32, #tpu.memory_space<hbm>>, %arg4: memref<2x1280x128xf32, #tpu.memory_space<hbm>>, %arg5: memref<128xi32, #tpu.memory_space<vmem>>, %arg6: memref<128xi32, #tpu.memory_space<vmem>>, %arg7: memref<128x128xf32, #tpu.memory_space<vmem>>, %arg8: memref<80x128xf32, #tpu.memory_space<vmem>>, %arg9: memref<1280x128xf32, #tpu.memory_space<vmem_shared>>) attributes {dimension_semantics = [#tpu.dimension_semantics<core_parallel>, #tpu.dimension_semantics<subcore_parallel>], iteration_bounds = array<i64: 2, 16>, scalar_prefetch = 0 : i64, scratch_operands = 5 : i64, tpu.core_type = #tpu.core_type<sc_vector_subcore>, window_params = [{transform_indices = #map}, {transform_indices = #map1}, {transform_indices = #map2}]} {
    %mul3A = arith.constant 2 : i32
    %mul3A_0 = arith.muli %arg1, %mul3A : i32
    %add3A = arith.addi %mul3A_0, %arg0 : i32
    %scan3A = arith.constant 0 : i32
    %scan3A_1 = arith.constant 0 : i32
    %scan3A_2 = arith.constant 80 : i32
    %scan3A_3 = arith.addi %scan3A_1, %scan3A_2 : i32
    %scan3A_4 = arith.constant 1 : i32
    scf.for %scan3A_19 = %scan3A_1 to %scan3A_3 step %scan3A_4  : i32 {
      %broadcast_in_dim3A = arith.constant 0.000000e+00 : f32
      %broadcast_in_dim3A_20 = vector.broadcast %broadcast_in_dim3A : f32 to vector<16xf32>
      %swap3A = arith.index_cast %scan3A_19 : i32 to index
      %swap3A_21 = arith.constant 0 : index
      %swap3A_22 = tpu.vector_load %arg8[%swap3A, %swap3A_21] {strides = array<i32>} : memref<80x128xf32, #tpu.memory_space<vmem>>, vector<1x16xf32>,
      %swap3A_23 = vector.shape_cast %swap3A_22 : vector<1x16xf32> to vector<16xf32>
      %swap3A_24 = vector.shape_cast %broadcast_in_dim3A_20 : vector<16xf32> to vector<1x16xf32>
      tpu.vector_store %arg8[%swap3A, %swap3A_21], %swap3A_24 {strides = array<i32>} : memref<80x128xf32, #tpu.memory_space<vmem>>, vector<1x16xf32>,
      %broadcast_in_dim3A_25 = arith.constant 0.000000e+00 : f32
      %broadcast_in_dim3A_26 = vector.broadcast %broadcast_in_dim3A_25 : f32 to vector<16xf32>
      %swap3A_27 = arith.index_cast %scan3A_19 : i32 to index
      %swap3A_28 = arith.constant 16 : index
      %swap3A_29 = tpu.vector_load %arg8[%swap3A_27, %swap3A_28] {strides = array<i32>} : memref<80x128xf32, #tpu.memory_space<vmem>>, vector<1x16xf32>,
      %swap3A_30 = vector.shape_cast %swap3A_29 : vector<1x16xf32> to vector<16xf32>
      %swap3A_31 = vector.shape_cast %broadcast_in_dim3A_26 : vector<16xf32> to vector<1x16xf32>
      tpu.vector_store %arg8[%swap3A_27, %swap3A_28], %swap3A_31 {strides = array<i32>} : memref<80x128xf32, #tpu.memory_space<vmem>>, vector<1x16xf32>,
      %broadcast_in_dim3A_32 = arith.constant 0.000000e+00 : f32
      %broadcast_in_dim3A_33 = vector.broadcast %broadcast_in_dim3A_32 : f32 to vector<16xf32>
      %swap3A_34 = arith.index_cast %scan3A_19 : i32 to index
      %swap3A_35 = arith.constant 32 : index
      %swap3A_36 = tpu.vector_load %arg8[%swap3A_34, %swap3A_35] {strides = array<i32>} : memref<80x128xf32, #tpu.memory_space<vmem>>, vector<1x16xf32>,
      %swap3A_37 = vector.shape_cast %swap3A_36 : vector<1x16xf32> to vector<16xf32>
      %swap3A_38 = vector.shape_cast %broadcast_in_dim3A_33 : vector<16xf32> to vector<1x16xf32>
      tpu.vector_store %arg8[%swap3A_34, %swap3A_35], %swap3A_38 {strides = array<i32>} : memref<80x128xf32, #tpu.memory_space<vmem>>, vector<1x16xf32>,
      %broadcast_in_dim3A_39 = arith.constant 0.000000e+00 : f32
      %broadcast_in_dim3A_40 = vector.broadcast %broadcast_in_dim3A_39 : f32 to vector<16xf32>
      %swap3A_41 = arith.index_cast %scan3A_19 : i32 to index
      %swap3A_42 = arith.constant 48 : index
      %swap3A_43 = tpu.vector_load %arg8[%swap3A_41, %swap3A_42] {strides = array<i32>} : memref<80x128xf32, #tpu.memory_space<vmem>>, vector<1x16xf32>,
      %swap3A_44 = vector.shape_cast %swap3A_43 : vector<1x16xf32> to vector<16xf32>
      %swap3A_45 = vector.shape_cast %broadcast_in_dim3A_40 : vector<16xf32> to vector<1x16xf32>
      tpu.vector_store %arg8[%swap3A_41, %swap3A_42], %swap3A_45 {strides = array<i32>} : memref<80x128xf32, #tpu.memory_space<vmem>>, vector<1x16xf32>,
      %broadcast_in_dim3A_46 = arith.constant 0.000000e+00 : f32
      %broadcast_in_dim3A_47 = vector.broadcast %broadcast_in_dim3A_46 : f32 to vector<16xf32>
      %swap3A_48 = arith.index_cast %scan3A_19 : i32 to index
      %swap3A_49 = arith.constant 64 : index
      %swap3A_50 = tpu.vector_load %arg8[%swap3A_48, %swap3A_49] {strides = array<i32>} : memref<80x128xf32, #tpu.memory_space<vmem>>, vector<1x16xf32>,
      %swap3A_51 = vector.shape_cast %swap3A_50 : vector<1x16xf32> to vector<16xf32>
      %swap3A_52 = vector.shape_cast %broadcast_in_dim3A_47 : vector<16xf32> to vector<1x16xf32>
      tpu.vector_store %arg8[%swap3A_48, %swap3A_49], %swap3A_52 {strides = array<i32>} : memref<80x128xf32, #tpu.memory_space<vmem>>, vector<1x16xf32>,
      %broadcast_in_dim3A_53 = arith.constant 0.000000e+00 : f32
      %broadcast_in_dim3A_54 = vector.broadcast %broadcast_in_dim3A_53 : f32 to vector<16xf32>
      %swap3A_55 = arith.index_cast %scan3A_19 : i32 to index
      %swap3A_56 = arith.constant 80 : index
      %swap3A_57 = tpu.vector_load %arg8[%swap3A_55, %swap3A_56] {strides = array<i32>} : memref<80x128xf32, #tpu.memory_space<vmem>>, vector<1x16xf32>,
      %swap3A_58 = vector.shape_cast %swap3A_57 : vector<1x16xf32> to vector<16xf32>
      %swap3A_59 = vector.shape_cast %broadcast_in_dim3A_54 : vector<16xf32> to vector<1x16xf32>
      tpu.vector_store %arg8[%swap3A_55, %swap3A_56], %swap3A_59 {strides = array<i32>} : memref<80x128xf32, #tpu.memory_space<vmem>>, vector<1x16xf32>,
      %broadcast_in_dim3A_60 = arith.constant 0.000000e+00 : f32
      %broadcast_in_dim3A_61 = vector.broadcast %broadcast_in_dim3A_60 : f32 to vector<16xf32>
      %swap3A_62 = arith.index_cast %scan3A_19 : i32 to index
      %swap3A_63 = arith.constant 96 : index
      %swap3A_64 = tpu.vector_load %arg8[%swap3A_62, %swap3A_63] {strides = array<i32>} : memref<80x128xf32, #tpu.memory_space<vmem>>, vector<1x16xf32>,
      %swap3A_65 = vector.shape_cast %swap3A_64 : vector<1x16xf32> to vector<16xf32>
      %swap3A_66 = vector.shape_cast %broadcast_in_dim3A_61 : vector<16xf32> to vector<1x16xf32>
      tpu.vector_store %arg8[%swap3A_62, %swap3A_63], %swap3A_66 {strides = array<i32>} : memref<80x128xf32, #tpu.memory_space<vmem>>, vector<1x16xf32>,
      %broadcast_in_dim3A_67 = arith.constant 0.000000e+00 : f32
      %broadcast_in_dim3A_68 = vector.broadcast %broadcast_in_dim3A_67 : f32 to vector<16xf32>
      %swap3A_69 = arith.index_cast %scan3A_19 : i32 to index
      %swap3A_70 = arith.constant 112 : index
      %swap3A_71 = tpu.vector_load %arg8[%swap3A_69, %swap3A_70] {strides = array<i32>} : memref<80x128xf32, #tpu.memory_space<vmem>>, vector<1x16xf32>,
      %swap3A_72 = vector.shape_cast %swap3A_71 : vector<1x16xf32> to vector<16xf32>
      %swap3A_73 = vector.shape_cast %broadcast_in_dim3A_68 : vector<16xf32> to vector<1x16xf32>
      tpu.vector_store %arg8[%swap3A_69, %swap3A_70], %swap3A_73 {strides = array<i32>} : memref<80x128xf32, #tpu.memory_space<vmem>>, vector<1x16xf32>,
    }
    %scan3A_5 = arith.constant 80 : i32
    %mul3A_6 = arith.constant 80 : i32
    %mul3A_7 = arith.muli %arg1, %mul3A_6 : i32
    "tpu.region"() ({
      %run_scoped3A = tpu.sem_alloc : memref<!tpu.dma_semaphore, #tpu.memory_space<semaphore_mem>>
      %dma_start3A = arith.constant 0 : i32
      %dma_start3A_19 = tpu.memref_slice %arg9[%mul3A_7, %dma_start3A] : memref<1280x128xf32, #tpu.memory_space<vmem_shared>> -> memref<80x128xf32, #tpu.memory_space<vmem_shared>>
      %dma_start3A_20 = arith.constant 0 : i32
      %dma_start3A_21 = tpu.memref_slice %arg9[%mul3A_7, %dma_start3A_20] : memref<1280x128xf32, #tpu.memory_space<vmem_shared>> -> memref<80x128xf32, #tpu.memory_space<vmem_shared>>
      tpu.enqueue_dma source(%arg8 : memref<80x128xf32, #tpu.memory_space<vmem>>) target(%dma_start3A_21 : memref<80x128xf32, #tpu.memory_space<vmem_shared>>) target_semaphore(%run_scoped3A : memref<!tpu.dma_semaphore, #tpu.memory_space<semaphore_mem>>)
      %dma_wait3A = arith.constant 0 : i32
      %dma_wait3A_22 = tpu.memref_slice %arg9[%mul3A_7, %dma_wait3A] : memref<1280x128xf32, #tpu.memory_space<vmem_shared>> -> memref<80x128xf32, #tpu.memory_space<vmem_shared>>
      %dma_wait3A_23 = arith.constant 0 : i32
      %dma_wait3A_24 = tpu.memref_slice %arg9[%mul3A_7, %dma_wait3A_23] : memref<1280x128xf32, #tpu.memory_space<vmem_shared>> -> memref<80x128xf32, #tpu.memory_space<vmem_shared>>
      tpu.wait_dma2 semaphore(%run_scoped3A : memref<!tpu.dma_semaphore, #tpu.memory_space<semaphore_mem>>) src(%arg8 : memref<80x128xf32, #tpu.memory_space<vmem>>) dst(%dma_wait3A_24 : memref<80x128xf32, #tpu.memory_space<vmem_shared>>)
      tpu.yield
    }) : () -> ()
    %barrier3A = arith.constant 0 : index
    tpu.barrier barrier_id(%barrier3A)
    %scan3A_8 = arith.constant 0 : i32
    %scan3A_9 = arith.constant 0 : i32
    %scan3A_10 = arith.constant 40 : i32
    %scan3A_11 = arith.addi %scan3A_9, %scan3A_10 : i32
    %scan3A_12 = arith.constant 1 : i32
    scf.for %scan3A_19 = %scan3A_9 to %scan3A_11 step %scan3A_12  : i32 {
      %mul3A_20 = arith.constant 32 : i32
      %mul3A_21 = arith.muli %scan3A_19, %mul3A_20 : i32
      %add3A_22 = arith.addi %mul3A_21, %add3A : i32
      %lt3A = arith.constant 1250 : i32
      %lt3A_23 = arith.cmpi slt, %add3A_22, %lt3A : i32
      %convert_element_type3A = arith.extui %lt3A_23 : i1 to i32
      %cond3A = arith.constant 0 : i32
      %cond3A_24 = arith.cmpi ne, %convert_element_type3A, %cond3A : i32
      scf.if %cond3A_24 {
        %mul3A_25 = arith.constant 128 : i32
        %mul3A_26 = arith.muli %add3A_22, %mul3A_25 : i32
        "tpu.region"() ({
          %run_scoped3A = tpu.sem_alloc : memref<!tpu.dma_semaphore, #tpu.memory_space<semaphore_mem>>
          %dma_start3A = tpu.memref_slice %arg2[%mul3A_26] : memref<160000xi32, #tpu.memory_space<hbm>> -> memref<128xi32, #tpu.memory_space<hbm>>
          %dma_start3A_104 = tpu.memref_slice %arg2[%mul3A_26] : memref<160000xi32, #tpu.memory_space<hbm>> -> memref<128xi32, #tpu.memory_space<hbm>>
          tpu.enqueue_dma source(%dma_start3A_104 : memref<128xi32, #tpu.memory_space<hbm>>) target(%arg5 : memref<128xi32, #tpu.memory_space<vmem>>) target_semaphore(%run_scoped3A : memref<!tpu.dma_semaphore, #tpu.memory_space<semaphore_mem>>)
          %dma_wait3A = tpu.memref_slice %arg2[%mul3A_26] : memref<160000xi32, #tpu.memory_space<hbm>> -> memref<128xi32, #tpu.memory_space<hbm>>
          %dma_wait3A_105 = tpu.memref_slice %arg2[%mul3A_26] : memref<160000xi32, #tpu.memory_space<hbm>> -> memref<128xi32, #tpu.memory_space<hbm>>
          tpu.wait_dma2 semaphore(%run_scoped3A : memref<!tpu.dma_semaphore, #tpu.memory_space<semaphore_mem>>) src(%dma_wait3A_105 : memref<128xi32, #tpu.memory_space<hbm>>) dst(%arg5 : memref<128xi32, #tpu.memory_space<vmem>>)
          tpu.yield
        }) : () -> ()
        %get3A = arith.constant 0 : index
        %get3A_27 = tpu.vector_load %arg5[%get3A] {strides = array<i32>} : memref<128xi32, #tpu.memory_space<vmem>>, vector<16xi32>,
        %get3A_28 = vector.shape_cast %get3A_27 : vector<16xi32> to vector<16xi32>
        %shift_right_logical3A = arith.constant 3 : i32
        %shift_right_logical3A_29 = vector.broadcast %shift_right_logical3A : i32 to vector<16xi32>
        %shift_right_logical3A_30 = arith.shrui %get3A_28, %shift_right_logical3A_29 : vector<16xi32>
        %swap3A = arith.constant 0 : index
        %swap3A_31 = tpu.vector_load %arg6[%swap3A] {strides = array<i32>} : memref<128xi32, #tpu.memory_space<vmem>>, vector<16xi32>,
        %swap3A_32 = vector.shape_cast %swap3A_31 : vector<16xi32> to vector<16xi32>
        %swap3A_33 = vector.shape_cast %shift_right_logical3A_30 : vector<16xi32> to vector<16xi32>
        tpu.vector_store %arg6[%swap3A], %swap3A_33 {strides = array<i32>} : memref<128xi32, #tpu.memory_space<vmem>>, vector<16xi32>,
        %get3A_34 = arith.constant 16 : index
        %get3A_35 = tpu.vector_load %arg5[%get3A_34] {strides = array<i32>} : memref<128xi32, #tpu.memory_space<vmem>>, vector<16xi32>,
        %get3A_36 = vector.shape_cast %get3A_35 : vector<16xi32> to vector<16xi32>
        %shift_right_logical3A_37 = arith.constant 3 : i32
        %shift_right_logical3A_38 = vector.broadcast %shift_right_logical3A_37 : i32 to vector<16xi32>
        %shift_right_logical3A_39 = arith.shrui %get3A_36, %shift_right_logical3A_38 : vector<16xi32>
        %swap3A_40 = arith.constant 16 : index
        %swap3A_41 = tpu.vector_load %arg6[%swap3A_40] {strides = array<i32>} : memref<128xi32, #tpu.memory_space<vmem>>, vector<16xi32>,
        %swap3A_42 = vector.shape_cast %swap3A_41 : vector<16xi32> to vector<16xi32>
        %swap3A_43 = vector.shape_cast %shift_right_logical3A_39 : vector<16xi32> to vector<16xi32>
        tpu.vector_store %arg6[%swap3A_40], %swap3A_43 {strides = array<i32>} : memref<128xi32, #tpu.memory_space<vmem>>, vector<16xi32>,
        %get3A_44 = arith.constant 32 : index
        %get3A_45 = tpu.vector_load %arg5[%get3A_44] {strides = array<i32>} : memref<128xi32, #tpu.memory_space<vmem>>, vector<16xi32>,
        %get3A_46 = vector.shape_cast %get3A_45 : vector<16xi32> to vector<16xi32>
        %shift_right_logical3A_47 = arith.constant 3 : i32
        %shift_right_logical3A_48 = vector.broadcast %shift_right_logical3A_47 : i32 to vector<16xi32>
        %shift_right_logical3A_49 = arith.shrui %get3A_46, %shift_right_logical3A_48 : vector<16xi32>
        %swap3A_50 = arith.constant 32 : index
        %swap3A_51 = tpu.vector_load %arg6[%swap3A_50] {strides = array<i32>} : memref<128xi32, #tpu.memory_space<vmem>>, vector<16xi32>,
        %swap3A_52 = vector.shape_cast %swap3A_51 : vector<16xi32> to vector<16xi32>
        %swap3A_53 = vector.shape_cast %shift_right_logical3A_49 : vector<16xi32> to vector<16xi32>
        tpu.vector_store %arg6[%swap3A_50], %swap3A_53 {strides = array<i32>} : memref<128xi32, #tpu.memory_space<vmem>>, vector<16xi32>,
        %get3A_54 = arith.constant 48 : index
        %get3A_55 = tpu.vector_load %arg5[%get3A_54] {strides = array<i32>} : memref<128xi32, #tpu.memory_space<vmem>>, vector<16xi32>,
        %get3A_56 = vector.shape_cast %get3A_55 : vector<16xi32> to vector<16xi32>
        %shift_right_logical3A_57 = arith.constant 3 : i32
        %shift_right_logical3A_58 = vector.broadcast %shift_right_logical3A_57 : i32 to vector<16xi32>
        %shift_right_logical3A_59 = arith.shrui %get3A_56, %shift_right_logical3A_58 : vector<16xi32>
        %swap3A_60 = arith.constant 48 : index
        %swap3A_61 = tpu.vector_load %arg6[%swap3A_60] {strides = array<i32>} : memref<128xi32, #tpu.memory_space<vmem>>, vector<16xi32>,
        %swap3A_62 = vector.shape_cast %swap3A_61 : vector<16xi32> to vector<16xi32>
        %swap3A_63 = vector.shape_cast %shift_right_logical3A_59 : vector<16xi32> to vector<16xi32>
        tpu.vector_store %arg6[%swap3A_60], %swap3A_63 {strides = array<i32>} : memref<128xi32, #tpu.memory_space<vmem>>, vector<16xi32>,
        %get3A_64 = arith.constant 64 : index
        %get3A_65 = tpu.vector_load %arg5[%get3A_64] {strides = array<i32>} : memref<128xi32, #tpu.memory_space<vmem>>, vector<16xi32>,
        %get3A_66 = vector.shape_cast %get3A_65 : vector<16xi32> to vector<16xi32>
        %shift_right_logical3A_67 = arith.constant 3 : i32
        %shift_right_logical3A_68 = vector.broadcast %shift_right_logical3A_67 : i32 to vector<16xi32>
        %shift_right_logical3A_69 = arith.shrui %get3A_66, %shift_right_logical3A_68 : vector<16xi32>
        %swap3A_70 = arith.constant 64 : index
        %swap3A_71 = tpu.vector_load %arg6[%swap3A_70] {strides = array<i32>} : memref<128xi32, #tpu.memory_space<vmem>>, vector<16xi32>,
        %swap3A_72 = vector.shape_cast %swap3A_71 : vector<16xi32> to vector<16xi32>
        %swap3A_73 = vector.shape_cast %shift_right_logical3A_69 : vector<16xi32> to vector<16xi32>
        tpu.vector_store %arg6[%swap3A_70], %swap3A_73 {strides = array<i32>} : memref<128xi32, #tpu.memory_space<vmem>>, vector<16xi32>,
        %get3A_74 = arith.constant 80 : index
        %get3A_75 = tpu.vector_load %arg5[%get3A_74] {strides = array<i32>} : memref<128xi32, #tpu.memory_space<vmem>>, vector<16xi32>,
        %get3A_76 = vector.shape_cast %get3A_75 : vector<16xi32> to vector<16xi32>
        %shift_right_logical3A_77 = arith.constant 3 : i32
        %shift_right_logical3A_78 = vector.broadcast %shift_right_logical3A_77 : i32 to vector<16xi32>
        %shift_right_logical3A_79 = arith.shrui %get3A_76, %shift_right_logical3A_78 : vector<16xi32>
        %swap3A_80 = arith.constant 80 : index
        %swap3A_81 = tpu.vector_load %arg6[%swap3A_80] {strides = array<i32>} : memref<128xi32, #tpu.memory_space<vmem>>, vector<16xi32>,
        %swap3A_82 = vector.shape_cast %swap3A_81 : vector<16xi32> to vector<16xi32>
        %swap3A_83 = vector.shape_cast %shift_right_logical3A_79 : vector<16xi32> to vector<16xi32>
        tpu.vector_store %arg6[%swap3A_80], %swap3A_83 {strides = array<i32>} : memref<128xi32, #tpu.memory_space<vmem>>, vector<16xi32>,
        %get3A_84 = arith.constant 96 : index
        %get3A_85 = tpu.vector_load %arg5[%get3A_84] {strides = array<i32>} : memref<128xi32, #tpu.memory_space<vmem>>, vector<16xi32>,
        %get3A_86 = vector.shape_cast %get3A_85 : vector<16xi32> to vector<16xi32>
        %shift_right_logical3A_87 = arith.constant 3 : i32
        %shift_right_logical3A_88 = vector.broadcast %shift_right_logical3A_87 : i32 to vector<16xi32>
        %shift_right_logical3A_89 = arith.shrui %get3A_86, %shift_right_logical3A_88 : vector<16xi32>
        %swap3A_90 = arith.constant 96 : index
        %swap3A_91 = tpu.vector_load %arg6[%swap3A_90] {strides = array<i32>} : memref<128xi32, #tpu.memory_space<vmem>>, vector<16xi32>,
        %swap3A_92 = vector.shape_cast %swap3A_91 : vector<16xi32> to vector<16xi32>
        %swap3A_93 = vector.shape_cast %shift_right_logical3A_89 : vector<16xi32> to vector<16xi32>
        tpu.vector_store %arg6[%swap3A_90], %swap3A_93 {strides = array<i32>} : memref<128xi32, #tpu.memory_space<vmem>>, vector<16xi32>,
        %get3A_94 = arith.constant 112 : index
        %get3A_95 = tpu.vector_load %arg5[%get3A_94] {strides = array<i32>} : memref<128xi32, #tpu.memory_space<vmem>>, vector<16xi32>,
        %get3A_96 = vector.shape_cast %get3A_95 : vector<16xi32> to vector<16xi32>
        %shift_right_logical3A_97 = arith.constant 3 : i32
        %shift_right_logical3A_98 = vector.broadcast %shift_right_logical3A_97 : i32 to vector<16xi32>
        %shift_right_logical3A_99 = arith.shrui %get3A_96, %shift_right_logical3A_98 : vector<16xi32>
        %swap3A_100 = arith.constant 112 : index
        %swap3A_101 = tpu.vector_load %arg6[%swap3A_100] {strides = array<i32>} : memref<128xi32, #tpu.memory_space<vmem>>, vector<16xi32>,
        %swap3A_102 = vector.shape_cast %swap3A_101 : vector<16xi32> to vector<16xi32>
        %swap3A_103 = vector.shape_cast %shift_right_logical3A_99 : vector<16xi32> to vector<16xi32>
        tpu.vector_store %arg6[%swap3A_100], %swap3A_103 {strides = array<i32>} : memref<128xi32, #tpu.memory_space<vmem>>, vector<16xi32>,
        "tpu.region"() ({
          %run_scoped3A = tpu.sem_alloc : memref<!tpu.dma_semaphore, #tpu.memory_space<semaphore_mem>>
          %dma_start3A = arith.constant 0 : i32
          %dma_start3A_104 = tpu.memref_slice %arg3[%mul3A_26, %dma_start3A] : memref<160000x128xf32, #tpu.memory_space<hbm>> -> memref<128x128xf32, #tpu.memory_space<hbm>>
          %dma_start3A_105 = arith.constant 0 : i32
          %dma_start3A_106 = tpu.memref_slice %arg3[%mul3A_26, %dma_start3A_105] : memref<160000x128xf32, #tpu.memory_space<hbm>> -> memref<128x128xf32, #tpu.memory_space<hbm>>
          tpu.enqueue_dma source(%dma_start3A_106 : memref<128x128xf32, #tpu.memory_space<hbm>>) target(%arg7 : memref<128x128xf32, #tpu.memory_space<vmem>>) target_semaphore(%run_scoped3A : memref<!tpu.dma_semaphore, #tpu.memory_space<semaphore_mem>>)
          %dma_wait3A = arith.constant 0 : i32
          %dma_wait3A_107 = tpu.memref_slice %arg3[%mul3A_26, %dma_wait3A] : memref<160000x128xf32, #tpu.memory_space<hbm>> -> memref<128x128xf32, #tpu.memory_space<hbm>>
          %dma_wait3A_108 = arith.constant 0 : i32
          %dma_wait3A_109 = tpu.memref_slice %arg3[%mul3A_26, %dma_wait3A_108] : memref<160000x128xf32, #tpu.memory_space<hbm>> -> memref<128x128xf32, #tpu.memory_space<hbm>>
          tpu.wait_dma2 semaphore(%run_scoped3A : memref<!tpu.dma_semaphore, #tpu.memory_space<semaphore_mem>>) src(%dma_wait3A_109 : memref<128x128xf32, #tpu.memory_space<hbm>>) dst(%arg7 : memref<128x128xf32, #tpu.memory_space<vmem>>)
          tpu.yield
        }) : () -> ()
        "tpu.region"() ({
          %run_scoped3A = tpu.sem_alloc : memref<!tpu.dma_semaphore, #tpu.memory_space<semaphore_mem>>
          %dma_start3A = arith.constant 0 : i32
          %dma_start3A_104 = arith.constant 0 : i32
          %dma_start3A_105 = tpu.memref_slice %arg9[%dma_start3A, %dma_start3A_104] : memref<1280x128xf32, #tpu.memory_space<vmem_shared>> -> memref<1280x128xf32, #tpu.memory_space<vmem_shared>>
          tpu.enqueue_indirect_dma source(%arg7 : memref<128x128xf32, #tpu.memory_space<vmem>>) target(%dma_start3A_105 : memref<1280x128xf32, #tpu.memory_space<vmem_shared>>) offsets(%arg6 : memref<128xi32, #tpu.memory_space<vmem>>) semaphore(%run_scoped3A : memref<!tpu.dma_semaphore, #tpu.memory_space<semaphore_mem>>) {add = true}
          %dma_wait3A = arith.constant 0 : i32
          %dma_wait3A_106 = arith.constant 0 : i32
          %dma_wait3A_107 = tpu.memref_slice %arg9[%dma_wait3A, %dma_wait3A_106] : memref<1280x128xf32, #tpu.memory_space<vmem_shared>> -> memref<1280x128xf32, #tpu.memory_space<vmem_shared>>
          tpu.wait_indirect_dma semaphore(%run_scoped3A : memref<!tpu.dma_semaphore, #tpu.memory_space<semaphore_mem>>) src(%arg7 : memref<128x128xf32, #tpu.memory_space<vmem>>) dst(%dma_wait3A_107 : memref<1280x128xf32, #tpu.memory_space<vmem_shared>>)
          tpu.yield
        }) : () -> ()
      } else {
      }
    }
    %scan3A_13 = arith.constant 40 : i32
    %barrier3A_14 = arith.constant 0 : index
    tpu.barrier barrier_id(%barrier3A_14)
    %mul3A_15 = arith.constant 80 : i32
    %mul3A_16 = arith.muli %arg1, %mul3A_15 : i32
    "tpu.region"() ({
      %run_scoped3A = tpu.sem_alloc : memref<!tpu.dma_semaphore, #tpu.memory_space<semaphore_mem>>
      %dma_start3A = arith.constant 0 : i32
      %dma_start3A_19 = tpu.memref_slice %arg9[%mul3A_16, %dma_start3A] : memref<1280x128xf32, #tpu.memory_space<vmem_shared>> -> memref<80x128xf32, #tpu.memory_space<vmem_shared>>
      %dma_start3A_20 = arith.constant 0 : i32
      %dma_start3A_21 = tpu.memref_slice %arg9[%mul3A_16, %dma_start3A_20] : memref<1280x128xf32, #tpu.memory_space<vmem_shared>> -> memref<80x128xf32, #tpu.memory_space<vmem_shared>>
      tpu.enqueue_dma source(%dma_start3A_21 : memref<80x128xf32, #tpu.memory_space<vmem_shared>>) target(%arg8 : memref<80x128xf32, #tpu.memory_space<vmem>>) target_semaphore(%run_scoped3A : memref<!tpu.dma_semaphore, #tpu.memory_space<semaphore_mem>>)
      %dma_wait3A = arith.constant 0 : i32
      %dma_wait3A_22 = tpu.memref_slice %arg9[%mul3A_16, %dma_wait3A] : memref<1280x128xf32, #tpu.memory_space<vmem_shared>> -> memref<80x128xf32, #tpu.memory_space<vmem_shared>>
      %dma_wait3A_23 = arith.constant 0 : i32
      %dma_wait3A_24 = tpu.memref_slice %arg9[%mul3A_16, %dma_wait3A_23] : memref<1280x128xf32, #tpu.memory_space<vmem_shared>> -> memref<80x128xf32, #tpu.memory_space<vmem_shared>>
      tpu.wait_dma2 semaphore(%run_scoped3A : memref<!tpu.dma_semaphore, #tpu.memory_space<semaphore_mem>>) src(%dma_wait3A_24 : memref<80x128xf32, #tpu.memory_space<vmem_shared>>) dst(%arg8 : memref<80x128xf32, #tpu.memory_space<vmem>>)
      tpu.yield
    }) : () -> ()
    %mul3A_17 = arith.constant 80 : i32
    %mul3A_18 = arith.muli %arg1, %mul3A_17 : i32
    "tpu.region"() ({
      %run_scoped3A = tpu.sem_alloc : memref<!tpu.dma_semaphore, #tpu.memory_space<semaphore_mem>>
      %dma_start3A = arith.constant 0 : i32
      %dma_start3A_19 = tpu.memref_slice %arg4[%arg0, %mul3A_18, %dma_start3A] : memref<2x1280x128xf32, #tpu.memory_space<hbm>> -> memref<1x80x128xf32, #tpu.memory_space<hbm>>
      %dma_start3A_20 = tpu.memref_squeeze %dma_start3A_19 : memref<1x80x128xf32, #tpu.memory_space<hbm>> -> memref<80x128xf32, #tpu.memory_space<hbm>>
      %dma_start3A_21 = arith.constant 0 : i32
      %dma_start3A_22 = tpu.memref_slice %arg4[%arg0, %mul3A_18, %dma_start3A_21] : memref<2x1280x128xf32, #tpu.memory_space<hbm>> -> memref<1x80x128xf32, #tpu.memory_space<hbm>>
      %dma_start3A_23 = tpu.memref_squeeze %dma_start3A_22 : memref<1x80x128xf32, #tpu.memory_space<hbm>> -> memref<80x128xf32, #tpu.memory_space<hbm>>
      tpu.enqueue_dma source(%arg8 : memref<80x128xf32, #tpu.memory_space<vmem>>) target(%dma_start3A_23 : memref<80x128xf32, #tpu.memory_space<hbm>>) target_semaphore(%run_scoped3A : memref<!tpu.dma_semaphore, #tpu.memory_space<semaphore_mem>>)
      %dma_wait3A = arith.constant 0 : i32
      %dma_wait3A_24 = tpu.memref_slice %arg4[%arg0, %mul3A_18, %dma_wait3A] : memref<2x1280x128xf32, #tpu.memory_space<hbm>> -> memref<1x80x128xf32, #tpu.memory_space<hbm>>
      %dma_wait3A_25 = tpu.memref_squeeze %dma_wait3A_24 : memref<1x80x128xf32, #tpu.memory_space<hbm>> -> memref<80x128xf32, #tpu.memory_space<hbm>>
      %dma_wait3A_26 = arith.constant 0 : i32
      %dma_wait3A_27 = tpu.memref_slice %arg4[%arg0, %mul3A_18, %dma_wait3A_26] : memref<2x1280x128xf32, #tpu.memory_space<hbm>> -> memref<1x80x128xf32, #tpu.memory_space<hbm>>
      %dma_wait3A_28 = tpu.memref_squeeze %dma_wait3A_27 : memref<1x80x128xf32, #tpu.memory_space<hbm>> -> memref<80x128xf32, #tpu.memory_space<hbm>>
      tpu.wait_dma2 semaphore(%run_scoped3A : memref<!tpu.dma_semaphore, #tpu.memory_space<semaphore_mem>>) src(%arg8 : memref<80x128xf32, #tpu.memory_space<vmem>>) dst(%dma_wait3A_28 : memref<80x128xf32, #tpu.memory_space<hbm>>)
      tpu.yield
    }) : () -> ()
    return
  }
}

#map = affine_map<(d0, d1) -> (0, 0)>
#map1 = affine_map<(d0, d1) -> (0)>
module attributes {stable_mosaic.version = 14 : i64} {
  func.func @gather(%arg0: i32, %arg1: i32, %arg2: memref<10000x128xf32, #tpu.memory_space<hbm>>, %arg3: memref<160000xi32, #tpu.memory_space<hbm>>, %arg4: memref<160000x128xf32, #tpu.memory_space<hbm>>, %arg5: memref<128xi32, #tpu.memory_space<vmem>>, %arg6: memref<128x128xf32, #tpu.memory_space<vmem>>, %arg7: memref<!tpu.dma_semaphore, #tpu.memory_space<semaphore_mem>>) attributes {dimension_semantics = [#tpu.dimension_semantics<core_parallel>, #tpu.dimension_semantics<subcore_parallel>], iteration_bounds = array<i64: 2, 16>, scalar_prefetch = 0 : i64, scratch_operands = 3 : i64, tpu.core_type = #tpu.core_type<sc_vector_subcore>, window_params = [{transform_indices = #map}, {transform_indices = #map1}, {transform_indices = #map}]} {
    %mul3A = arith.constant 2 : i32
    %mul3A_0 = arith.muli %arg1, %mul3A : i32
    %add3A = arith.addi %mul3A_0, %arg0 : i32
    %scan3A = arith.constant 0 : i32
    %scan3A_1 = arith.constant 0 : i32
    %scan3A_2 = arith.constant 40 : i32
    %scan3A_3 = arith.addi %scan3A_1, %scan3A_2 : i32
    %scan3A_4 = arith.constant 1 : i32
    scf.for %scan3A_6 = %scan3A_1 to %scan3A_3 step %scan3A_4  : i32 {
      %mul3A_7 = arith.constant 32 : i32
      %mul3A_8 = arith.muli %scan3A_6, %mul3A_7 : i32
      %add3A_9 = arith.addi %mul3A_8, %add3A : i32
      %lt3A = arith.constant 1250 : i32
      %lt3A_10 = arith.cmpi slt, %add3A_9, %lt3A : i32
      %convert_element_type3A = arith.extui %lt3A_10 : i1 to i32
      %cond3A = arith.constant 0 : i32
      %cond3A_11 = arith.cmpi ne, %convert_element_type3A, %cond3A : i32
      scf.if %cond3A_11 {
        %mul3A_12 = arith.constant 128 : i32
        %mul3A_13 = arith.muli %add3A_9, %mul3A_12 : i32
        "tpu.region"() ({
          %run_scoped3A = tpu.sem_alloc : memref<!tpu.dma_semaphore, #tpu.memory_space<semaphore_mem>>
          %dma_start3A_18 = tpu.memref_slice %arg3[%mul3A_13] : memref<160000xi32, #tpu.memory_space<hbm>> -> memref<128xi32, #tpu.memory_space<hbm>>
          %dma_start3A_19 = tpu.memref_slice %arg3[%mul3A_13] : memref<160000xi32, #tpu.memory_space<hbm>> -> memref<128xi32, #tpu.memory_space<hbm>>
          tpu.enqueue_dma source(%dma_start3A_19 : memref<128xi32, #tpu.memory_space<hbm>>) target(%arg5 : memref<128xi32, #tpu.memory_space<vmem>>) target_semaphore(%run_scoped3A : memref<!tpu.dma_semaphore, #tpu.memory_space<semaphore_mem>>)
          %dma_wait3A_20 = tpu.memref_slice %arg3[%mul3A_13] : memref<160000xi32, #tpu.memory_space<hbm>> -> memref<128xi32, #tpu.memory_space<hbm>>
          %dma_wait3A_21 = tpu.memref_slice %arg3[%mul3A_13] : memref<160000xi32, #tpu.memory_space<hbm>> -> memref<128xi32, #tpu.memory_space<hbm>>
          tpu.wait_dma2 semaphore(%run_scoped3A : memref<!tpu.dma_semaphore, #tpu.memory_space<semaphore_mem>>) src(%dma_wait3A_21 : memref<128xi32, #tpu.memory_space<hbm>>) dst(%arg5 : memref<128xi32, #tpu.memory_space<vmem>>)
          tpu.yield
        }) : () -> ()
        %dma_start3A = arith.constant 0 : i32
        %dma_start3A_14 = arith.constant 0 : i32
        %dma_start3A_15 = tpu.memref_slice %arg2[%dma_start3A, %dma_start3A_14] : memref<10000x128xf32, #tpu.memory_space<hbm>> -> memref<10000x128xf32, #tpu.memory_space<hbm>>
        tpu.enqueue_indirect_dma source(%dma_start3A_15 : memref<10000x128xf32, #tpu.memory_space<hbm>>) target(%arg6 : memref<128x128xf32, #tpu.memory_space<vmem>>) offsets(%arg5 : memref<128xi32, #tpu.memory_space<vmem>>) semaphore(%arg7 : memref<!tpu.dma_semaphore, #tpu.memory_space<semaphore_mem>>)
        %dma_wait3A = arith.constant 0 : i32
        %dma_wait3A_16 = arith.constant 0 : i32
        %dma_wait3A_17 = tpu.memref_slice %arg2[%dma_wait3A, %dma_wait3A_16] : memref<10000x128xf32, #tpu.memory_space<hbm>> -> memref<10000x128xf32, #tpu.memory_space<hbm>>
        tpu.wait_indirect_dma semaphore(%arg7 : memref<!tpu.dma_semaphore, #tpu.memory_space<semaphore_mem>>) src(%dma_wait3A_17 : memref<10000x128xf32, #tpu.memory_space<hbm>>) dst(%arg6 : memref<128x128xf32, #tpu.memory_space<vmem>>)
        "tpu.region"() ({
          %run_scoped3A = tpu.sem_alloc : memref<!tpu.dma_semaphore, #tpu.memory_space<semaphore_mem>>
          %dma_start3A_18 = arith.constant 0 : i32
          %dma_start3A_19 = tpu.memref_slice %arg4[%mul3A_13, %dma_start3A_18] : memref<160000x128xf32, #tpu.memory_space<hbm>> -> memref<128x128xf32, #tpu.memory_space<hbm>>
          %dma_start3A_20 = arith.constant 0 : i32
          %dma_start3A_21 = tpu.memref_slice %arg4[%mul3A_13, %dma_start3A_20] : memref<160000x128xf32, #tpu.memory_space<hbm>> -> memref<128x128xf32, #tpu.memory_space<hbm>>
          tpu.enqueue_dma source(%arg6 : memref<128x128xf32, #tpu.memory_space<vmem>>) target(%dma_start3A_21 : memref<128x128xf32, #tpu.memory_space<hbm>>) target_semaphore(%run_scoped3A : memref<!tpu.dma_semaphore, #tpu.memory_space<semaphore_mem>>)
          %dma_wait3A_22 = arith.constant 0 : i32
          %dma_wait3A_23 = tpu.memref_slice %arg4[%mul3A_13, %dma_wait3A_22] : memref<160000x128xf32, #tpu.memory_space<hbm>> -> memref<128x128xf32, #tpu.memory_space<hbm>>
          %dma_wait3A_24 = arith.constant 0 : i32
          %dma_wait3A_25 = tpu.memref_slice %arg4[%mul3A_13, %dma_wait3A_24] : memref<160000x128xf32, #tpu.memory_space<hbm>> -> memref<128x128xf32, #tpu.memory_space<hbm>>
          tpu.wait_dma2 semaphore(%run_scoped3A : memref<!tpu.dma_semaphore, #tpu.memory_space<semaphore_mem>>) src(%arg6 : memref<128x128xf32, #tpu.memory_space<vmem>>) dst(%dma_wait3A_25 : memref<128x128xf32, #tpu.memory_space<hbm>>)
          tpu.yield
        }) : () -> ()
      } else {
      }
    }
    %scan3A_5 = arith.constant 40 : i32
    return
  }
}

module attributes {stable_mosaic.version = 14 : i64} {
  func.func @_edge1_body(%arg0: i32, %arg1: memref<640x16xf32, #tpu.memory_space<vmem>>, %arg2: memref<640x128xf32, #tpu.memory_space<vmem>>, %arg3: memref<640x1xi32, #tpu.memory_space<vmem>>, %arg4: memref<16x128xf32, #tpu.memory_space<vmem>>, %arg5: memref<1x128xf32, #tpu.memory_space<vmem>>, %arg6: memref<128x128xf32, #tpu.memory_space<vmem>>, %arg7: memref<1x128xf32, #tpu.memory_space<vmem>>, %arg8: memref<128x128xf32, #tpu.memory_space<vmem>>, %arg9: memref<1x128xf32, #tpu.memory_space<vmem>>, %arg10: memref<128x2048xf32, #tpu.memory_space<vmem>>, %arg11: memref<1x2048xf32, #tpu.memory_space<vmem>>, %arg12: memref<2048x16xf32, #tpu.memory_space<vmem>>, %arg13: memref<640x128xf32, #tpu.memory_space<vmem>>) attributes {dimension_semantics = [#tpu.dimension_semantics<arbitrary>], iteration_bounds = array<i64: 250>, scalar_prefetch = 0 : i64, scratch_operands = 0 : i64, tpu.core_type = #tpu.core_type<tc>, window_params = [{transform_indices = @transform_0, window_bounds = array<i64: 640, 16>}, {transform_indices = @transform_1, window_bounds = array<i64: 640, 128>}, {transform_indices = @transform_2, window_bounds = array<i64: 640, 1>}, {pipeline_mode = #tpu.pipeline_mode<synchronous>, transform_indices = @transform_3, window_bounds = array<i64: 16, 128>}, {pipeline_mode = #tpu.pipeline_mode<synchronous>, transform_indices = @transform_4, window_bounds = array<i64: 1, 128>}, {pipeline_mode = #tpu.pipeline_mode<synchronous>, transform_indices = @transform_5, window_bounds = array<i64: 128, 128>}, {pipeline_mode = #tpu.pipeline_mode<synchronous>, transform_indices = @transform_6, window_bounds = array<i64: 1, 128>}, {pipeline_mode = #tpu.pipeline_mode<synchronous>, transform_indices = @transform_7, window_bounds = array<i64: 128, 128>}, {pipeline_mode = #tpu.pipeline_mode<synchronous>, transform_indices = @transform_8, window_bounds = array<i64: 1, 128>}, {pipeline_mode = #tpu.pipeline_mode<synchronous>, transform_indices = @transform_9, window_bounds = array<i64: 128, 2048>}, {pipeline_mode = #tpu.pipeline_mode<synchronous>, transform_indices = @transform_10, window_bounds = array<i64: 1, 2048>}, {pipeline_mode = #tpu.pipeline_mode<synchronous>, transform_indices = @transform_11, window_bounds = array<i64: 2048, 16>}, {transform_indices = @transform_12, window_bounds = array<i64: 640, 128>}]} {
    %get3A = arith.constant 0 : index
    %get3A_0 = arith.constant 0 : index
    %get3A_1 = vector.load %arg1[%get3A, %get3A_0] : memref<640x16xf32, #tpu.memory_space<vmem>>, vector<640x16xf32>
    %get3A_2 = arith.constant 0 : index
    %get3A_3 = arith.constant 0 : index
    %get3A_4 = vector.load %arg4[%get3A_2, %get3A_3] : memref<16x128xf32, #tpu.memory_space<vmem>>, vector<16x128xf32>
    %dot_general3A = arith.constant dense<0.000000e+00> : vector<640x128xf32>
    %dot_general3A_5 = tpu.matmul %get3A_1, %get3A_4, %dot_general3A {dimension_numbers = #tpu.dot_dimension_numbers<[1], [0], [0], [1], [0, 0, 1, 1], [], []>, transpose_lhs_hint = false} : vector<640x16xf32>, vector<16x128xf32>, vector<640x128xf32> -> vector<640x128xf32>
    %get3A_6 = arith.constant 0 : index
    %get3A_7 = arith.constant 0 : index
    %get3A_8 = vector.load %arg5[%get3A_6, %get3A_7] : memref<1x128xf32, #tpu.memory_space<vmem>>, vector<1x128xf32>
    %add3A = vector.broadcast %get3A_8 : vector<1x128xf32> to vector<640x128xf32>
    %add3A_9 = arith.addf %dot_general3A_5, %add3A : vector<640x128xf32>
    %max3A = arith.constant 0.000000e+00 : f32
    %max3A_10 = vector.broadcast %max3A : f32 to vector<640x128xf32>
    %max3A_11 = arith.maximumf %add3A_9, %max3A_10 : vector<640x128xf32>
    %get3A_12 = arith.constant 0 : index
    %get3A_13 = arith.constant 0 : index
    %get3A_14 = vector.load %arg6[%get3A_12, %get3A_13] : memref<128x128xf32, #tpu.memory_space<vmem>>, vector<128x128xf32>
    %dot_general3A_15 = arith.constant dense<0.000000e+00> : vector<640x128xf32>
    %dot_general3A_16 = tpu.matmul %max3A_11, %get3A_14, %dot_general3A_15 {dimension_numbers = #tpu.dot_dimension_numbers<[1], [0], [0], [1], [0, 0, 1, 1], [], []>, transpose_lhs_hint = false} : vector<640x128xf32>, vector<128x128xf32>, vector<640x128xf32> -> vector<640x128xf32>
    %get3A_17 = arith.constant 0 : index
    %get3A_18 = arith.constant 0 : index
    %get3A_19 = vector.load %arg7[%get3A_17, %get3A_18] : memref<1x128xf32, #tpu.memory_space<vmem>>, vector<1x128xf32>
    %add3A_20 = vector.broadcast %get3A_19 : vector<1x128xf32> to vector<640x128xf32>
    %add3A_21 = arith.addf %dot_general3A_16, %add3A_20 : vector<640x128xf32>
    %max3A_22 = arith.constant 0.000000e+00 : f32
    %max3A_23 = vector.broadcast %max3A_22 : f32 to vector<640x128xf32>
    %max3A_24 = arith.maximumf %add3A_21, %max3A_23 : vector<640x128xf32>
    %get3A_25 = arith.constant 0 : index
    %get3A_26 = arith.constant 0 : index
    %get3A_27 = vector.load %arg8[%get3A_25, %get3A_26] : memref<128x128xf32, #tpu.memory_space<vmem>>, vector<128x128xf32>
    %dot_general3A_28 = arith.constant dense<0.000000e+00> : vector<640x128xf32>
    %dot_general3A_29 = tpu.matmul %max3A_24, %get3A_27, %dot_general3A_28 {dimension_numbers = #tpu.dot_dimension_numbers<[1], [0], [0], [1], [0, 0, 1, 1], [], []>, transpose_lhs_hint = false} : vector<640x128xf32>, vector<128x128xf32>, vector<640x128xf32> -> vector<640x128xf32>
    %get3A_30 = arith.constant 0 : index
    %get3A_31 = arith.constant 0 : index
    %get3A_32 = vector.load %arg9[%get3A_30, %get3A_31] : memref<1x128xf32, #tpu.memory_space<vmem>>, vector<1x128xf32>
    %add3A_33 = vector.broadcast %get3A_32 : vector<1x128xf32> to vector<640x128xf32>
    %add3A_34 = arith.addf %dot_general3A_29, %add3A_33 : vector<640x128xf32>
    %max3A_35 = arith.constant 0.000000e+00 : f32
    %max3A_36 = vector.broadcast %max3A_35 : f32 to vector<640x128xf32>
    %max3A_37 = arith.maximumf %add3A_34, %max3A_36 : vector<640x128xf32>
    %get3A_38 = arith.constant 0 : index
    %get3A_39 = arith.constant 0 : index
    %get3A_40 = vector.load %arg10[%get3A_38, %get3A_39] : memref<128x2048xf32, #tpu.memory_space<vmem>>, vector<128x2048xf32>
    %dot_general3A_41 = arith.constant dense<0.000000e+00> : vector<640x2048xf32>
    %dot_general3A_42 = tpu.matmul %max3A_37, %get3A_40, %dot_general3A_41 {dimension_numbers = #tpu.dot_dimension_numbers<[1], [0], [0], [1], [0, 0, 1, 1], [], []>, transpose_lhs_hint = false} : vector<640x128xf32>, vector<128x2048xf32>, vector<640x2048xf32> -> vector<640x2048xf32>
    %get3A_43 = arith.constant 0 : index
    %get3A_44 = arith.constant 0 : index
    %get3A_45 = vector.load %arg11[%get3A_43, %get3A_44] : memref<1x2048xf32, #tpu.memory_space<vmem>>, vector<1x2048xf32>
    %add3A_46 = vector.broadcast %get3A_45 : vector<1x2048xf32> to vector<640x2048xf32>
    %add3A_47 = arith.addf %dot_general3A_42, %add3A_46 : vector<640x2048xf32>
    %get3A_48 = arith.constant 0 : index
    %get3A_49 = arith.constant 0 : index
    %get3A_50 = vector.load %arg2[%get3A_48, %get3A_49] : memref<640x128xf32, #tpu.memory_space<vmem>>, vector<640x128xf32>
    %concatenate3A = tpu.concatenate %get3A_50, %get3A_50, %get3A_50, %get3A_50, %get3A_50, %get3A_50, %get3A_50, %get3A_50, %get3A_50, %get3A_50, %get3A_50, %get3A_50, %get3A_50, %get3A_50, %get3A_50, %get3A_50 in 1 : vector<640x128xf32>, vector<640x128xf32>, vector<640x128xf32>, vector<640x128xf32>, vector<640x128xf32>, vector<640x128xf32>, vector<640x128xf32>, vector<640x128xf32>, vector<640x128xf32>, vector<640x128xf32>, vector<640x128xf32>, vector<640x128xf32>, vector<640x128xf32>, vector<640x128xf32>, vector<640x128xf32>, vector<640x128xf32> -> vector<640x2048xf32>
    %mul3A = arith.mulf %add3A_47, %concatenate3A : vector<640x2048xf32>
    %get3A_51 = arith.constant 0 : index
    %get3A_52 = arith.constant 0 : index
    %get3A_53 = vector.load %arg12[%get3A_51, %get3A_52] : memref<2048x16xf32, #tpu.memory_space<vmem>>, vector<2048x16xf32>
    %dot_general3A_54 = arith.constant dense<0.000000e+00> : vector<640x16xf32>
    %dot_general3A_55 = tpu.matmul %mul3A, %get3A_53, %dot_general3A_54 {dimension_numbers = #tpu.dot_dimension_numbers<[1], [0], [0], [1], [0, 0, 1, 1], [], []>, transpose_lhs_hint = false} : vector<640x2048xf32>, vector<2048x16xf32>, vector<640x16xf32> -> vector<640x16xf32>
    %get3A_56 = arith.constant 0 : index
    %get3A_57 = arith.constant 0 : index
    %get3A_58 = vector.load %arg3[%get3A_56, %get3A_57] : memref<640x1xi32, #tpu.memory_space<vmem>>, vector<640x1xi32>
    %rem3A = arith.constant 8 : i32
    %rem3A_59 = vector.broadcast %rem3A : i32 to vector<640x1xi32>
    %rem3A_60 = arith.remsi %get3A_58, %rem3A_59 : vector<640x1xi32>
    %eq3A = arith.constant 0 : i32
    %eq3A_61 = vector.broadcast %eq3A : i32 to vector<640x1xi32>
    %eq3A_62 = arith.cmpi eq, %rem3A_60, %eq3A_61 : vector<640x1xi32>
    %convert_element_type3A = arith.extui %eq3A_62 : vector<640x1xi1> to vector<640x1xi32>
    %convert_element_type3A_63 = arith.sitofp %convert_element_type3A : vector<640x1xi32> to vector<640x1xf32>
    %mul3A_64 = vector.broadcast %convert_element_type3A_63 : vector<640x1xf32> to vector<640x16xf32>
    %mul3A_65 = arith.mulf %dot_general3A_55, %mul3A_64 : vector<640x16xf32>
    %eq3A_66 = arith.constant 1 : i32
    %eq3A_67 = vector.broadcast %eq3A_66 : i32 to vector<640x1xi32>
    %eq3A_68 = arith.cmpi eq, %rem3A_60, %eq3A_67 : vector<640x1xi32>
    %convert_element_type3A_69 = arith.extui %eq3A_68 : vector<640x1xi1> to vector<640x1xi32>
    %convert_element_type3A_70 = arith.sitofp %convert_element_type3A_69 : vector<640x1xi32> to vector<640x1xf32>
    %mul3A_71 = vector.broadcast %convert_element_type3A_70 : vector<640x1xf32> to vector<640x16xf32>
    %mul3A_72 = arith.mulf %dot_general3A_55, %mul3A_71 : vector<640x16xf32>
    %eq3A_73 = arith.constant 2 : i32
    %eq3A_74 = vector.broadcast %eq3A_73 : i32 to vector<640x1xi32>
    %eq3A_75 = arith.cmpi eq, %rem3A_60, %eq3A_74 : vector<640x1xi32>
    %convert_element_type3A_76 = arith.extui %eq3A_75 : vector<640x1xi1> to vector<640x1xi32>
    %convert_element_type3A_77 = arith.sitofp %convert_element_type3A_76 : vector<640x1xi32> to vector<640x1xf32>
    %mul3A_78 = vector.broadcast %convert_element_type3A_77 : vector<640x1xf32> to vector<640x16xf32>
    %mul3A_79 = arith.mulf %dot_general3A_55, %mul3A_78 : vector<640x16xf32>
    %eq3A_80 = arith.constant 3 : i32
    %eq3A_81 = vector.broadcast %eq3A_80 : i32 to vector<640x1xi32>
    %eq3A_82 = arith.cmpi eq, %rem3A_60, %eq3A_81 : vector<640x1xi32>
    %convert_element_type3A_83 = arith.extui %eq3A_82 : vector<640x1xi1> to vector<640x1xi32>
    %convert_element_type3A_84 = arith.sitofp %convert_element_type3A_83 : vector<640x1xi32> to vector<640x1xf32>
    %mul3A_85 = vector.broadcast %convert_element_type3A_84 : vector<640x1xf32> to vector<640x16xf32>
    %mul3A_86 = arith.mulf %dot_general3A_55, %mul3A_85 : vector<640x16xf32>
    %eq3A_87 = arith.constant 4 : i32
    %eq3A_88 = vector.broadcast %eq3A_87 : i32 to vector<640x1xi32>
    %eq3A_89 = arith.cmpi eq, %rem3A_60, %eq3A_88 : vector<640x1xi32>
    %convert_element_type3A_90 = arith.extui %eq3A_89 : vector<640x1xi1> to vector<640x1xi32>
    %convert_element_type3A_91 = arith.sitofp %convert_element_type3A_90 : vector<640x1xi32> to vector<640x1xf32>
    %mul3A_92 = vector.broadcast %convert_element_type3A_91 : vector<640x1xf32> to vector<640x16xf32>
    %mul3A_93 = arith.mulf %dot_general3A_55, %mul3A_92 : vector<640x16xf32>
    %eq3A_94 = arith.constant 5 : i32
    %eq3A_95 = vector.broadcast %eq3A_94 : i32 to vector<640x1xi32>
    %eq3A_96 = arith.cmpi eq, %rem3A_60, %eq3A_95 : vector<640x1xi32>
    %convert_element_type3A_97 = arith.extui %eq3A_96 : vector<640x1xi1> to vector<640x1xi32>
    %convert_element_type3A_98 = arith.sitofp %convert_element_type3A_97 : vector<640x1xi32> to vector<640x1xf32>
    %mul3A_99 = vector.broadcast %convert_element_type3A_98 : vector<640x1xf32> to vector<640x16xf32>
    %mul3A_100 = arith.mulf %dot_general3A_55, %mul3A_99 : vector<640x16xf32>
    %eq3A_101 = arith.constant 6 : i32
    %eq3A_102 = vector.broadcast %eq3A_101 : i32 to vector<640x1xi32>
    %eq3A_103 = arith.cmpi eq, %rem3A_60, %eq3A_102 : vector<640x1xi32>
    %convert_element_type3A_104 = arith.extui %eq3A_103 : vector<640x1xi1> to vector<640x1xi32>
    %convert_element_type3A_105 = arith.sitofp %convert_element_type3A_104 : vector<640x1xi32> to vector<640x1xf32>
    %mul3A_106 = vector.broadcast %convert_element_type3A_105 : vector<640x1xf32> to vector<640x16xf32>
    %mul3A_107 = arith.mulf %dot_general3A_55, %mul3A_106 : vector<640x16xf32>
    %eq3A_108 = arith.constant 7 : i32
    %eq3A_109 = vector.broadcast %eq3A_108 : i32 to vector<640x1xi32>
    %eq3A_110 = arith.cmpi eq, %rem3A_60, %eq3A_109 : vector<640x1xi32>
    %convert_element_type3A_111 = arith.extui %eq3A_110 : vector<640x1xi1> to vector<640x1xi32>
    %convert_element_type3A_112 = arith.sitofp %convert_element_type3A_111 : vector<640x1xi32> to vector<640x1xf32>
    %mul3A_113 = vector.broadcast %convert_element_type3A_112 : vector<640x1xf32> to vector<640x16xf32>
    %mul3A_114 = arith.mulf %dot_general3A_55, %mul3A_113 : vector<640x16xf32>
    %concatenate3A_115 = tpu.concatenate %mul3A_65, %mul3A_72, %mul3A_79, %mul3A_86, %mul3A_93, %mul3A_100, %mul3A_107, %mul3A_114 in 1 : vector<640x16xf32>, vector<640x16xf32>, vector<640x16xf32>, vector<640x16xf32>, vector<640x16xf32>, vector<640x16xf32>, vector<640x16xf32>, vector<640x16xf32> -> vector<640x128xf32>
    %swap3A = arith.constant 0 : index
    %swap3A_116 = arith.constant 0 : index
    %swap3A_117 = vector.load %arg13[%swap3A, %swap3A_116] : memref<640x128xf32, #tpu.memory_space<vmem>>, vector<640x128xf32>
    tpu.vector_store %arg13[%swap3A, %swap3A_116], %concatenate3A_115 {strides = array<i32>} : memref<640x128xf32, #tpu.memory_space<vmem>>, vector<640x128xf32>,
    return
  }
  func.func @transform_0(%arg0: i32) -> (i32, i32) {
    %c0_i32 = arith.constant 0 : i32
    %c0_i32_0 = arith.constant 0 : i32
    return %arg0, %c0_i32 : i32, i32
  }
  func.func @transform_1(%arg0: i32) -> (i32, i32) {
    %c0_i32 = arith.constant 0 : i32
    %c0_i32_0 = arith.constant 0 : i32
    return %arg0, %c0_i32 : i32, i32
  }
  func.func @transform_2(%arg0: i32) -> (i32, i32) {
    %c0_i32 = arith.constant 0 : i32
    %c0_i32_0 = arith.constant 0 : i32
    return %arg0, %c0_i32 : i32, i32
  }
  func.func @transform_3(%arg0: i32) -> (i32, i32) {
    %c0_i32 = arith.constant 0 : i32
    %c0_i32_0 = arith.constant 0 : i32
    %c0_i32_1 = arith.constant 0 : i32
    return %c0_i32, %c0_i32_0 : i32, i32
  }
  func.func @transform_4(%arg0: i32) -> (i32, i32) {
    %c0_i32 = arith.constant 0 : i32
    %c0_i32_0 = arith.constant 0 : i32
    %c0_i32_1 = arith.constant 0 : i32
    return %c0_i32, %c0_i32_0 : i32, i32
  }
  func.func @transform_5(%arg0: i32) -> (i32, i32) {
    %c0_i32 = arith.constant 0 : i32
    %c0_i32_0 = arith.constant 0 : i32
    %c0_i32_1 = arith.constant 0 : i32
    return %c0_i32, %c0_i32_0 : i32, i32
  }
  func.func @transform_6(%arg0: i32) -> (i32, i32) {
    %c0_i32 = arith.constant 0 : i32
    %c0_i32_0 = arith.constant 0 : i32
    %c0_i32_1 = arith.constant 0 : i32
    return %c0_i32, %c0_i32_0 : i32, i32
  }
  func.func @transform_7(%arg0: i32) -> (i32, i32) {
    %c0_i32 = arith.constant 0 : i32
    %c0_i32_0 = arith.constant 0 : i32
    %c0_i32_1 = arith.constant 0 : i32
    return %c0_i32, %c0_i32_0 : i32, i32
  }
  func.func @transform_8(%arg0: i32) -> (i32, i32) {
    %c0_i32 = arith.constant 0 : i32
    %c0_i32_0 = arith.constant 0 : i32
    %c0_i32_1 = arith.constant 0 : i32
    return %c0_i32, %c0_i32_0 : i32, i32
  }
  func.func @transform_9(%arg0: i32) -> (i32, i32) {
    %c0_i32 = arith.constant 0 : i32
    %c0_i32_0 = arith.constant 0 : i32
    %c0_i32_1 = arith.constant 0 : i32
    return %c0_i32, %c0_i32_0 : i32, i32
  }
  func.func @transform_10(%arg0: i32) -> (i32, i32) {
    %c0_i32 = arith.constant 0 : i32
    %c0_i32_0 = arith.constant 0 : i32
    %c0_i32_1 = arith.constant 0 : i32
    return %c0_i32, %c0_i32_0 : i32, i32
  }
  func.func @transform_11(%arg0: i32) -> (i32, i32) {
    %c0_i32 = arith.constant 0 : i32
    %c0_i32_0 = arith.constant 0 : i32
    %c0_i32_1 = arith.constant 0 : i32
    return %c0_i32, %c0_i32_0 : i32, i32
  }
  func.func @transform_12(%arg0: i32) -> (i32, i32) {
    %c0_i32 = arith.constant 0 : i32
    %c0_i32_0 = arith.constant 0 : i32
    return %arg0, %c0_i32 : i32, i32
  }
}

module attributes {stable_mosaic.version = 14 : i64} {
  func.func @_node1_body(%arg0: memref<2x10000x16xf32, #tpu.memory_space<vmem>>, %arg1: memref<10000x128xf32, #tpu.memory_space<vmem>>, %arg2: memref<128x16xf32, #tpu.memory_space<vmem>>, %arg3: memref<1x16xf32, #tpu.memory_space<vmem>>, %arg4: memref<1x16xf32, #tpu.memory_space<vmem>>, %arg5: memref<1x16xf32, #tpu.memory_space<vmem>>, %arg6: memref<10000x16xf32, #tpu.memory_space<vmem>>, %arg7: memref<10000x128xf32, #tpu.memory_space<vmem>>) attributes {dimension_semantics = [], scalar_prefetch = 0 : i64, scratch_operands = 0 : i64, tpu.core_type = #tpu.core_type<tc>} {
    %get3A = arith.constant 0 : index
    %get3A_0 = arith.constant 0 : index
    %get3A_1 = arith.constant 0 : index
    %get3A_2 = vector.load %arg0[%get3A, %get3A_0, %get3A_1] : memref<2x10000x16xf32, #tpu.memory_space<vmem>>, vector<1x10000x16xf32>
    %get3A_3 = vector.shape_cast %get3A_2 : vector<1x10000x16xf32> to vector<10000x16xf32>
    %get3A_4 = arith.constant 1 : index
    %get3A_5 = arith.constant 0 : index
    %get3A_6 = arith.constant 0 : index
    %get3A_7 = vector.load %arg0[%get3A_4, %get3A_5, %get3A_6] : memref<2x10000x16xf32, #tpu.memory_space<vmem>>, vector<1x10000x16xf32>
    %get3A_8 = vector.shape_cast %get3A_7 : vector<1x10000x16xf32> to vector<10000x16xf32>
    %add3A = arith.addf %get3A_3, %get3A_8 : vector<10000x16xf32>
    %get3A_9 = arith.constant 0 : index
    %get3A_10 = arith.constant 0 : index
    %get3A_11 = vector.load %arg1[%get3A_9, %get3A_10] : memref<10000x128xf32, #tpu.memory_space<vmem>>, vector<10000x128xf32>
    %get3A_12 = arith.constant 0 : index
    %get3A_13 = arith.constant 0 : index
    %get3A_14 = vector.load %arg2[%get3A_12, %get3A_13] : memref<128x16xf32, #tpu.memory_space<vmem>>, vector<128x16xf32>
    %dot_general3A = arith.constant dense<0.000000e+00> : vector<10000x16xf32>
    %dot_general3A_15 = tpu.matmul %get3A_11, %get3A_14, %dot_general3A {dimension_numbers = #tpu.dot_dimension_numbers<[1], [0], [0], [1], [0, 0, 1, 1], [], []>, transpose_lhs_hint = false} : vector<10000x128xf32>, vector<128x16xf32>, vector<10000x16xf32> -> vector<10000x16xf32>
    %add3A_16 = arith.addf %add3A, %dot_general3A_15 : vector<10000x16xf32>
    %get3A_17 = arith.constant 0 : index
    %get3A_18 = arith.constant 0 : index
    %get3A_19 = vector.load %arg3[%get3A_17, %get3A_18] : memref<1x16xf32, #tpu.memory_space<vmem>>, vector<1x16xf32>
    %add3A_20 = vector.broadcast %get3A_19 : vector<1x16xf32> to vector<10000x16xf32>
    %add3A_21 = arith.addf %add3A_16, %add3A_20 : vector<10000x16xf32>
    %reduce_sum3A = arith.constant dense<0.000000e+00> : vector<16xf32>
    %reduce_sum3A_22 = vector.multi_reduction <add>, %add3A_21, %reduce_sum3A [0] : vector<10000x16xf32> to vector<16xf32>
    %broadcast_in_dim3A = vector.shape_cast %reduce_sum3A_22 : vector<16xf32> to vector<1x16xf32>
    %div3A = arith.constant 1.000000e+04 : f32
    %div3A_23 = vector.broadcast %div3A : f32 to vector<1x16xf32>
    %div3A_24 = arith.divf %broadcast_in_dim3A, %div3A_23 : vector<1x16xf32>
    %sub3A = vector.broadcast %div3A_24 : vector<1x16xf32> to vector<10000x16xf32>
    %sub3A_25 = arith.subf %add3A_21, %sub3A : vector<10000x16xf32>
    %mul3A = arith.mulf %sub3A_25, %sub3A_25 : vector<10000x16xf32>
    %reduce_sum3A_26 = arith.constant dense<0.000000e+00> : vector<16xf32>
    %reduce_sum3A_27 = vector.multi_reduction <add>, %mul3A, %reduce_sum3A_26 [0] : vector<10000x16xf32> to vector<16xf32>
    %broadcast_in_dim3A_28 = vector.shape_cast %reduce_sum3A_27 : vector<16xf32> to vector<1x16xf32>
    %div3A_29 = arith.constant 1.000000e+04 : f32
    %div3A_30 = vector.broadcast %div3A_29 : f32 to vector<1x16xf32>
    %div3A_31 = arith.divf %broadcast_in_dim3A_28, %div3A_30 : vector<1x16xf32>
    %add3A_32 = arith.constant 9.99999974E-6 : f32
    %add3A_33 = vector.broadcast %add3A_32 : f32 to vector<1x16xf32>
    %add3A_34 = arith.addf %div3A_31, %add3A_33 : vector<1x16xf32>
    %sqrt3A = math.sqrt %add3A_34 : vector<1x16xf32>
    %div3A_35 = vector.broadcast %sqrt3A : vector<1x16xf32> to vector<10000x16xf32>
    %div3A_36 = arith.divf %sub3A_25, %div3A_35 : vector<10000x16xf32>
    %get3A_37 = arith.constant 0 : index
    %get3A_38 = arith.constant 0 : index
    %get3A_39 = vector.load %arg4[%get3A_37, %get3A_38] : memref<1x16xf32, #tpu.memory_space<vmem>>, vector<1x16xf32>
    %mul3A_40 = vector.broadcast %get3A_39 : vector<1x16xf32> to vector<10000x16xf32>
    %mul3A_41 = arith.mulf %div3A_36, %mul3A_40 : vector<10000x16xf32>
    %get3A_42 = arith.constant 0 : index
    %get3A_43 = arith.constant 0 : index
    %get3A_44 = vector.load %arg5[%get3A_42, %get3A_43] : memref<1x16xf32, #tpu.memory_space<vmem>>, vector<1x16xf32>
    %add3A_45 = vector.broadcast %get3A_44 : vector<1x16xf32> to vector<10000x16xf32>
    %add3A_46 = arith.addf %mul3A_41, %add3A_45 : vector<10000x16xf32>
    %max3A = arith.constant 0.000000e+00 : f32
    %max3A_47 = vector.broadcast %max3A : f32 to vector<10000x16xf32>
    %max3A_48 = arith.maximumf %add3A_46, %max3A_47 : vector<10000x16xf32>
    %swap3A = arith.constant 0 : index
    %swap3A_49 = arith.constant 0 : index
    %swap3A_50 = vector.load %arg6[%swap3A, %swap3A_49] : memref<10000x16xf32, #tpu.memory_space<vmem>>, vector<10000x16xf32>
    tpu.vector_store %arg6[%swap3A, %swap3A_49], %max3A_48 {strides = array<i32>} : memref<10000x16xf32, #tpu.memory_space<vmem>>, vector<10000x16xf32>,
    %broadcast_in_dim3A_51 = arith.constant 0.000000e+00 : f32
    %broadcast_in_dim3A_52 = vector.broadcast %broadcast_in_dim3A_51 : f32 to vector<10000x112xf32>
    %concatenate3A = tpu.concatenate %max3A_48, %broadcast_in_dim3A_52 in 1 : vector<10000x16xf32>, vector<10000x112xf32> -> vector<10000x128xf32>
    %swap3A_53 = arith.constant 0 : index
    %swap3A_54 = arith.constant 0 : index
    %swap3A_55 = vector.load %arg7[%swap3A_53, %swap3A_54] : memref<10000x128xf32, #tpu.memory_space<vmem>>, vector<10000x128xf32>
    tpu.vector_store %arg7[%swap3A_53, %swap3A_54], %concatenate3A {strides = array<i32>} : memref<10000x128xf32, #tpu.memory_space<vmem>>, vector<10000x128xf32>,
    return
  }
}

module attributes {stable_mosaic.version = 14 : i64} {
  func.func @_edge2_body(%arg0: i32, %arg1: memref<1600x16xf32, #tpu.memory_space<vmem>>, %arg2: memref<1600x128xf32, #tpu.memory_space<vmem>>, %arg3: memref<1600x1xi32, #tpu.memory_space<vmem>>, %arg4: memref<16x128xf32, #tpu.memory_space<vmem>>, %arg5: memref<1x128xf32, #tpu.memory_space<vmem>>, %arg6: memref<128x128xf32, #tpu.memory_space<vmem>>, %arg7: memref<1x128xf32, #tpu.memory_space<vmem>>, %arg8: memref<128x128xf32, #tpu.memory_space<vmem>>, %arg9: memref<1x128xf32, #tpu.memory_space<vmem>>, %arg10: memref<128x256xf32, #tpu.memory_space<vmem>>, %arg11: memref<1x256xf32, #tpu.memory_space<vmem>>, %arg12: memref<16x256xf32, #tpu.memory_space<vmem>>, %arg13: memref<256x16xf32, #tpu.memory_space<vmem>>, %arg14: memref<1600x128xf32, #tpu.memory_space<vmem>>) attributes {dimension_semantics = [#tpu.dimension_semantics<arbitrary>], iteration_bounds = array<i64: 100>, scalar_prefetch = 0 : i64, scratch_operands = 0 : i64, tpu.core_type = #tpu.core_type<tc>, window_params = [{transform_indices = @transform_0, window_bounds = array<i64: 1600, 16>}, {transform_indices = @transform_1, window_bounds = array<i64: 1600, 128>}, {transform_indices = @transform_2, window_bounds = array<i64: 1600, 1>}, {pipeline_mode = #tpu.pipeline_mode<synchronous>, transform_indices = @transform_3, window_bounds = array<i64: 16, 128>}, {pipeline_mode = #tpu.pipeline_mode<synchronous>, transform_indices = @transform_4, window_bounds = array<i64: 1, 128>}, {pipeline_mode = #tpu.pipeline_mode<synchronous>, transform_indices = @transform_5, window_bounds = array<i64: 128, 128>}, {pipeline_mode = #tpu.pipeline_mode<synchronous>, transform_indices = @transform_6, window_bounds = array<i64: 1, 128>}, {pipeline_mode = #tpu.pipeline_mode<synchronous>, transform_indices = @transform_7, window_bounds = array<i64: 128, 128>}, {pipeline_mode = #tpu.pipeline_mode<synchronous>, transform_indices = @transform_8, window_bounds = array<i64: 1, 128>}, {pipeline_mode = #tpu.pipeline_mode<synchronous>, transform_indices = @transform_9, window_bounds = array<i64: 128, 256>}, {pipeline_mode = #tpu.pipeline_mode<synchronous>, transform_indices = @transform_10, window_bounds = array<i64: 1, 256>}, {pipeline_mode = #tpu.pipeline_mode<synchronous>, transform_indices = @transform_11, window_bounds = array<i64: 16, 256>}, {pipeline_mode = #tpu.pipeline_mode<synchronous>, transform_indices = @transform_12, window_bounds = array<i64: 256, 16>}, {transform_indices = @transform_13, window_bounds = array<i64: 1600, 128>}]} {
    %get3A = arith.constant 0 : index
    %get3A_0 = arith.constant 0 : index
    %get3A_1 = vector.load %arg1[%get3A, %get3A_0] : memref<1600x16xf32, #tpu.memory_space<vmem>>, vector<1600x16xf32>
    %get3A_2 = arith.constant 0 : index
    %get3A_3 = arith.constant 0 : index
    %get3A_4 = vector.load %arg4[%get3A_2, %get3A_3] : memref<16x128xf32, #tpu.memory_space<vmem>>, vector<16x128xf32>
    %dot_general3A = arith.constant dense<0.000000e+00> : vector<1600x128xf32>
    %dot_general3A_5 = tpu.matmul %get3A_1, %get3A_4, %dot_general3A {dimension_numbers = #tpu.dot_dimension_numbers<[1], [0], [0], [1], [0, 0, 1, 1], [], []>, transpose_lhs_hint = false} : vector<1600x16xf32>, vector<16x128xf32>, vector<1600x128xf32> -> vector<1600x128xf32>
    %get3A_6 = arith.constant 0 : index
    %get3A_7 = arith.constant 0 : index
    %get3A_8 = vector.load %arg5[%get3A_6, %get3A_7] : memref<1x128xf32, #tpu.memory_space<vmem>>, vector<1x128xf32>
    %add3A = vector.broadcast %get3A_8 : vector<1x128xf32> to vector<1600x128xf32>
    %add3A_9 = arith.addf %dot_general3A_5, %add3A : vector<1600x128xf32>
    %max3A = arith.constant 0.000000e+00 : f32
    %max3A_10 = vector.broadcast %max3A : f32 to vector<1600x128xf32>
    %max3A_11 = arith.maximumf %add3A_9, %max3A_10 : vector<1600x128xf32>
    %get3A_12 = arith.constant 0 : index
    %get3A_13 = arith.constant 0 : index
    %get3A_14 = vector.load %arg6[%get3A_12, %get3A_13] : memref<128x128xf32, #tpu.memory_space<vmem>>, vector<128x128xf32>
    %dot_general3A_15 = arith.constant dense<0.000000e+00> : vector<1600x128xf32>
    %dot_general3A_16 = tpu.matmul %max3A_11, %get3A_14, %dot_general3A_15 {dimension_numbers = #tpu.dot_dimension_numbers<[1], [0], [0], [1], [0, 0, 1, 1], [], []>, transpose_lhs_hint = false} : vector<1600x128xf32>, vector<128x128xf32>, vector<1600x128xf32> -> vector<1600x128xf32>
    %get3A_17 = arith.constant 0 : index
    %get3A_18 = arith.constant 0 : index
    %get3A_19 = vector.load %arg7[%get3A_17, %get3A_18] : memref<1x128xf32, #tpu.memory_space<vmem>>, vector<1x128xf32>
    %add3A_20 = vector.broadcast %get3A_19 : vector<1x128xf32> to vector<1600x128xf32>
    %add3A_21 = arith.addf %dot_general3A_16, %add3A_20 : vector<1600x128xf32>
    %max3A_22 = arith.constant 0.000000e+00 : f32
    %max3A_23 = vector.broadcast %max3A_22 : f32 to vector<1600x128xf32>
    %max3A_24 = arith.maximumf %add3A_21, %max3A_23 : vector<1600x128xf32>
    %get3A_25 = arith.constant 0 : index
    %get3A_26 = arith.constant 0 : index
    %get3A_27 = vector.load %arg8[%get3A_25, %get3A_26] : memref<128x128xf32, #tpu.memory_space<vmem>>, vector<128x128xf32>
    %dot_general3A_28 = arith.constant dense<0.000000e+00> : vector<1600x128xf32>
    %dot_general3A_29 = tpu.matmul %max3A_24, %get3A_27, %dot_general3A_28 {dimension_numbers = #tpu.dot_dimension_numbers<[1], [0], [0], [1], [0, 0, 1, 1], [], []>, transpose_lhs_hint = false} : vector<1600x128xf32>, vector<128x128xf32>, vector<1600x128xf32> -> vector<1600x128xf32>
    %get3A_30 = arith.constant 0 : index
    %get3A_31 = arith.constant 0 : index
    %get3A_32 = vector.load %arg9[%get3A_30, %get3A_31] : memref<1x128xf32, #tpu.memory_space<vmem>>, vector<1x128xf32>
    %add3A_33 = vector.broadcast %get3A_32 : vector<1x128xf32> to vector<1600x128xf32>
    %add3A_34 = arith.addf %dot_general3A_29, %add3A_33 : vector<1600x128xf32>
    %max3A_35 = arith.constant 0.000000e+00 : f32
    %max3A_36 = vector.broadcast %max3A_35 : f32 to vector<1600x128xf32>
    %max3A_37 = arith.maximumf %add3A_34, %max3A_36 : vector<1600x128xf32>
    %get3A_38 = arith.constant 0 : index
    %get3A_39 = arith.constant 0 : index
    %get3A_40 = vector.load %arg10[%get3A_38, %get3A_39] : memref<128x256xf32, #tpu.memory_space<vmem>>, vector<128x256xf32>
    %dot_general3A_41 = arith.constant dense<0.000000e+00> : vector<1600x256xf32>
    %dot_general3A_42 = tpu.matmul %max3A_37, %get3A_40, %dot_general3A_41 {dimension_numbers = #tpu.dot_dimension_numbers<[1], [0], [0], [1], [0, 0, 1, 1], [], []>, transpose_lhs_hint = false} : vector<1600x128xf32>, vector<128x256xf32>, vector<1600x256xf32> -> vector<1600x256xf32>
    %get3A_43 = arith.constant 0 : index
    %get3A_44 = arith.constant 0 : index
    %get3A_45 = vector.load %arg11[%get3A_43, %get3A_44] : memref<1x256xf32, #tpu.memory_space<vmem>>, vector<1x256xf32>
    %add3A_46 = vector.broadcast %get3A_45 : vector<1x256xf32> to vector<1600x256xf32>
    %add3A_47 = arith.addf %dot_general3A_42, %add3A_46 : vector<1600x256xf32>
    %get3A_48 = arith.constant 0 : index
    %get3A_49 = arith.constant 0 : index
    %get3A_50 = vector.load %arg2[%get3A_48, %get3A_49] : memref<1600x128xf32, #tpu.memory_space<vmem>>, vector<1600x16xf32>
    %get3A_51 = arith.constant 0 : index
    %get3A_52 = arith.constant 0 : index
    %get3A_53 = vector.load %arg12[%get3A_51, %get3A_52] : memref<16x256xf32, #tpu.memory_space<vmem>>, vector<16x256xf32>
    %dot_general3A_54 = arith.constant dense<0.000000e+00> : vector<1600x256xf32>
    %dot_general3A_55 = tpu.matmul %get3A_50, %get3A_53, %dot_general3A_54 {dimension_numbers = #tpu.dot_dimension_numbers<[1], [0], [0], [1], [0, 0, 1, 1], [], []>, transpose_lhs_hint = false} : vector<1600x16xf32>, vector<16x256xf32>, vector<1600x256xf32> -> vector<1600x256xf32>
    %mul3A = arith.mulf %add3A_47, %dot_general3A_55 : vector<1600x256xf32>
    %get3A_56 = arith.constant 0 : index
    %get3A_57 = arith.constant 0 : index
    %get3A_58 = vector.load %arg13[%get3A_56, %get3A_57] : memref<256x16xf32, #tpu.memory_space<vmem>>, vector<256x16xf32>
    %dot_general3A_59 = arith.constant dense<0.000000e+00> : vector<1600x16xf32>
    %dot_general3A_60 = tpu.matmul %mul3A, %get3A_58, %dot_general3A_59 {dimension_numbers = #tpu.dot_dimension_numbers<[1], [0], [0], [1], [0, 0, 1, 1], [], []>, transpose_lhs_hint = false} : vector<1600x256xf32>, vector<256x16xf32>, vector<1600x16xf32> -> vector<1600x16xf32>
    %get3A_61 = arith.constant 0 : index
    %get3A_62 = arith.constant 0 : index
    %get3A_63 = vector.load %arg3[%get3A_61, %get3A_62] : memref<1600x1xi32, #tpu.memory_space<vmem>>, vector<1600x1xi32>
    %rem3A = arith.constant 8 : i32
    %rem3A_64 = vector.broadcast %rem3A : i32 to vector<1600x1xi32>
    %rem3A_65 = arith.remsi %get3A_63, %rem3A_64 : vector<1600x1xi32>
    %eq3A = arith.constant 0 : i32
    %eq3A_66 = vector.broadcast %eq3A : i32 to vector<1600x1xi32>
    %eq3A_67 = arith.cmpi eq, %rem3A_65, %eq3A_66 : vector<1600x1xi32>
    %convert_element_type3A = arith.extui %eq3A_67 : vector<1600x1xi1> to vector<1600x1xi32>
    %convert_element_type3A_68 = arith.sitofp %convert_element_type3A : vector<1600x1xi32> to vector<1600x1xf32>
    %mul3A_69 = vector.broadcast %convert_element_type3A_68 : vector<1600x1xf32> to vector<1600x16xf32>
    %mul3A_70 = arith.mulf %dot_general3A_60, %mul3A_69 : vector<1600x16xf32>
    %eq3A_71 = arith.constant 1 : i32
    %eq3A_72 = vector.broadcast %eq3A_71 : i32 to vector<1600x1xi32>
    %eq3A_73 = arith.cmpi eq, %rem3A_65, %eq3A_72 : vector<1600x1xi32>
    %convert_element_type3A_74 = arith.extui %eq3A_73 : vector<1600x1xi1> to vector<1600x1xi32>
    %convert_element_type3A_75 = arith.sitofp %convert_element_type3A_74 : vector<1600x1xi32> to vector<1600x1xf32>
    %mul3A_76 = vector.broadcast %convert_element_type3A_75 : vector<1600x1xf32> to vector<1600x16xf32>
    %mul3A_77 = arith.mulf %dot_general3A_60, %mul3A_76 : vector<1600x16xf32>
    %eq3A_78 = arith.constant 2 : i32
    %eq3A_79 = vector.broadcast %eq3A_78 : i32 to vector<1600x1xi32>
    %eq3A_80 = arith.cmpi eq, %rem3A_65, %eq3A_79 : vector<1600x1xi32>
    %convert_element_type3A_81 = arith.extui %eq3A_80 : vector<1600x1xi1> to vector<1600x1xi32>
    %convert_element_type3A_82 = arith.sitofp %convert_element_type3A_81 : vector<1600x1xi32> to vector<1600x1xf32>
    %mul3A_83 = vector.broadcast %convert_element_type3A_82 : vector<1600x1xf32> to vector<1600x16xf32>
    %mul3A_84 = arith.mulf %dot_general3A_60, %mul3A_83 : vector<1600x16xf32>
    %eq3A_85 = arith.constant 3 : i32
    %eq3A_86 = vector.broadcast %eq3A_85 : i32 to vector<1600x1xi32>
    %eq3A_87 = arith.cmpi eq, %rem3A_65, %eq3A_86 : vector<1600x1xi32>
    %convert_element_type3A_88 = arith.extui %eq3A_87 : vector<1600x1xi1> to vector<1600x1xi32>
    %convert_element_type3A_89 = arith.sitofp %convert_element_type3A_88 : vector<1600x1xi32> to vector<1600x1xf32>
    %mul3A_90 = vector.broadcast %convert_element_type3A_89 : vector<1600x1xf32> to vector<1600x16xf32>
    %mul3A_91 = arith.mulf %dot_general3A_60, %mul3A_90 : vector<1600x16xf32>
    %eq3A_92 = arith.constant 4 : i32
    %eq3A_93 = vector.broadcast %eq3A_92 : i32 to vector<1600x1xi32>
    %eq3A_94 = arith.cmpi eq, %rem3A_65, %eq3A_93 : vector<1600x1xi32>
    %convert_element_type3A_95 = arith.extui %eq3A_94 : vector<1600x1xi1> to vector<1600x1xi32>
    %convert_element_type3A_96 = arith.sitofp %convert_element_type3A_95 : vector<1600x1xi32> to vector<1600x1xf32>
    %mul3A_97 = vector.broadcast %convert_element_type3A_96 : vector<1600x1xf32> to vector<1600x16xf32>
    %mul3A_98 = arith.mulf %dot_general3A_60, %mul3A_97 : vector<1600x16xf32>
    %eq3A_99 = arith.constant 5 : i32
    %eq3A_100 = vector.broadcast %eq3A_99 : i32 to vector<1600x1xi32>
    %eq3A_101 = arith.cmpi eq, %rem3A_65, %eq3A_100 : vector<1600x1xi32>
    %convert_element_type3A_102 = arith.extui %eq3A_101 : vector<1600x1xi1> to vector<1600x1xi32>
    %convert_element_type3A_103 = arith.sitofp %convert_element_type3A_102 : vector<1600x1xi32> to vector<1600x1xf32>
    %mul3A_104 = vector.broadcast %convert_element_type3A_103 : vector<1600x1xf32> to vector<1600x16xf32>
    %mul3A_105 = arith.mulf %dot_general3A_60, %mul3A_104 : vector<1600x16xf32>
    %eq3A_106 = arith.constant 6 : i32
    %eq3A_107 = vector.broadcast %eq3A_106 : i32 to vector<1600x1xi32>
    %eq3A_108 = arith.cmpi eq, %rem3A_65, %eq3A_107 : vector<1600x1xi32>
    %convert_element_type3A_109 = arith.extui %eq3A_108 : vector<1600x1xi1> to vector<1600x1xi32>
    %convert_element_type3A_110 = arith.sitofp %convert_element_type3A_109 : vector<1600x1xi32> to vector<1600x1xf32>
    %mul3A_111 = vector.broadcast %convert_element_type3A_110 : vector<1600x1xf32> to vector<1600x16xf32>
    %mul3A_112 = arith.mulf %dot_general3A_60, %mul3A_111 : vector<1600x16xf32>
    %eq3A_113 = arith.constant 7 : i32
    %eq3A_114 = vector.broadcast %eq3A_113 : i32 to vector<1600x1xi32>
    %eq3A_115 = arith.cmpi eq, %rem3A_65, %eq3A_114 : vector<1600x1xi32>
    %convert_element_type3A_116 = arith.extui %eq3A_115 : vector<1600x1xi1> to vector<1600x1xi32>
    %convert_element_type3A_117 = arith.sitofp %convert_element_type3A_116 : vector<1600x1xi32> to vector<1600x1xf32>
    %mul3A_118 = vector.broadcast %convert_element_type3A_117 : vector<1600x1xf32> to vector<1600x16xf32>
    %mul3A_119 = arith.mulf %dot_general3A_60, %mul3A_118 : vector<1600x16xf32>
    %concatenate3A = tpu.concatenate %mul3A_70, %mul3A_77, %mul3A_84, %mul3A_91, %mul3A_98, %mul3A_105, %mul3A_112, %mul3A_119 in 1 : vector<1600x16xf32>, vector<1600x16xf32>, vector<1600x16xf32>, vector<1600x16xf32>, vector<1600x16xf32>, vector<1600x16xf32>, vector<1600x16xf32>, vector<1600x16xf32> -> vector<1600x128xf32>
    %swap3A = arith.constant 0 : index
    %swap3A_120 = arith.constant 0 : index
    %swap3A_121 = vector.load %arg14[%swap3A, %swap3A_120] : memref<1600x128xf32, #tpu.memory_space<vmem>>, vector<1600x128xf32>
    tpu.vector_store %arg14[%swap3A, %swap3A_120], %concatenate3A {strides = array<i32>} : memref<1600x128xf32, #tpu.memory_space<vmem>>, vector<1600x128xf32>,
    return
  }
  func.func @transform_0(%arg0: i32) -> (i32, i32) {
    %c0_i32 = arith.constant 0 : i32
    %c0_i32_0 = arith.constant 0 : i32
    return %arg0, %c0_i32 : i32, i32
  }
  func.func @transform_1(%arg0: i32) -> (i32, i32) {
    %c0_i32 = arith.constant 0 : i32
    %c0_i32_0 = arith.constant 0 : i32
    return %arg0, %c0_i32 : i32, i32
  }
  func.func @transform_2(%arg0: i32) -> (i32, i32) {
    %c0_i32 = arith.constant 0 : i32
    %c0_i32_0 = arith.constant 0 : i32
    return %arg0, %c0_i32 : i32, i32
  }
  func.func @transform_3(%arg0: i32) -> (i32, i32) {
    %c0_i32 = arith.constant 0 : i32
    %c0_i32_0 = arith.constant 0 : i32
    %c0_i32_1 = arith.constant 0 : i32
    return %c0_i32, %c0_i32_0 : i32, i32
  }
  func.func @transform_4(%arg0: i32) -> (i32, i32) {
    %c0_i32 = arith.constant 0 : i32
    %c0_i32_0 = arith.constant 0 : i32
    %c0_i32_1 = arith.constant 0 : i32
    return %c0_i32, %c0_i32_0 : i32, i32
  }
  func.func @transform_5(%arg0: i32) -> (i32, i32) {
    %c0_i32 = arith.constant 0 : i32
    %c0_i32_0 = arith.constant 0 : i32
    %c0_i32_1 = arith.constant 0 : i32
    return %c0_i32, %c0_i32_0 : i32, i32
  }
  func.func @transform_6(%arg0: i32) -> (i32, i32) {
    %c0_i32 = arith.constant 0 : i32
    %c0_i32_0 = arith.constant 0 : i32
    %c0_i32_1 = arith.constant 0 : i32
    return %c0_i32, %c0_i32_0 : i32, i32
  }
  func.func @transform_7(%arg0: i32) -> (i32, i32) {
    %c0_i32 = arith.constant 0 : i32
    %c0_i32_0 = arith.constant 0 : i32
    %c0_i32_1 = arith.constant 0 : i32
    return %c0_i32, %c0_i32_0 : i32, i32
  }
  func.func @transform_8(%arg0: i32) -> (i32, i32) {
    %c0_i32 = arith.constant 0 : i32
    %c0_i32_0 = arith.constant 0 : i32
    %c0_i32_1 = arith.constant 0 : i32
    return %c0_i32, %c0_i32_0 : i32, i32
  }
  func.func @transform_9(%arg0: i32) -> (i32, i32) {
    %c0_i32 = arith.constant 0 : i32
    %c0_i32_0 = arith.constant 0 : i32
    %c0_i32_1 = arith.constant 0 : i32
    return %c0_i32, %c0_i32_0 : i32, i32
  }
  func.func @transform_10(%arg0: i32) -> (i32, i32) {
    %c0_i32 = arith.constant 0 : i32
    %c0_i32_0 = arith.constant 0 : i32
    %c0_i32_1 = arith.constant 0 : i32
    return %c0_i32, %c0_i32_0 : i32, i32
  }
  func.func @transform_11(%arg0: i32) -> (i32, i32) {
    %c0_i32 = arith.constant 0 : i32
    %c0_i32_0 = arith.constant 0 : i32
    %c0_i32_1 = arith.constant 0 : i32
    return %c0_i32, %c0_i32_0 : i32, i32
  }
  func.func @transform_12(%arg0: i32) -> (i32, i32) {
    %c0_i32 = arith.constant 0 : i32
    %c0_i32_0 = arith.constant 0 : i32
    %c0_i32_1 = arith.constant 0 : i32
    return %c0_i32, %c0_i32_0 : i32, i32
  }
  func.func @transform_13(%arg0: i32) -> (i32, i32) {
    %c0_i32 = arith.constant 0 : i32
    %c0_i32_0 = arith.constant 0 : i32
    return %arg0, %c0_i32 : i32, i32
  }
}

module attributes {stable_mosaic.version = 14 : i64} {
  func.func @_node2_body(%arg0: memref<2x10000x16xf32, #tpu.memory_space<vmem>>, %arg1: memref<10000x16xf32, #tpu.memory_space<vmem>>, %arg2: memref<16x16xf32, #tpu.memory_space<vmem>>, %arg3: memref<1x16xf32, #tpu.memory_space<vmem>>, %arg4: memref<1x16xf32, #tpu.memory_space<vmem>>, %arg5: memref<1x16xf32, #tpu.memory_space<vmem>>, %arg6: memref<16x64xf32, #tpu.memory_space<vmem>>, %arg7: memref<64xf32, #tpu.memory_space<vmem>>, %arg8: memref<10000x64xf32, #tpu.memory_space<vmem>>) attributes {dimension_semantics = [], scalar_prefetch = 0 : i64, scratch_operands = 0 : i64, tpu.core_type = #tpu.core_type<tc>} {
    %get3A = arith.constant 0 : index
    %get3A_0 = arith.constant 0 : index
    %get3A_1 = arith.constant 0 : index
    %get3A_2 = vector.load %arg0[%get3A, %get3A_0, %get3A_1] : memref<2x10000x16xf32, #tpu.memory_space<vmem>>, vector<1x10000x16xf32>
    %get3A_3 = vector.shape_cast %get3A_2 : vector<1x10000x16xf32> to vector<10000x16xf32>
    %get3A_4 = arith.constant 1 : index
    %get3A_5 = arith.constant 0 : index
    %get3A_6 = arith.constant 0 : index
    %get3A_7 = vector.load %arg0[%get3A_4, %get3A_5, %get3A_6] : memref<2x10000x16xf32, #tpu.memory_space<vmem>>, vector<1x10000x16xf32>
    %get3A_8 = vector.shape_cast %get3A_7 : vector<1x10000x16xf32> to vector<10000x16xf32>
    %add3A = arith.addf %get3A_3, %get3A_8 : vector<10000x16xf32>
    %get3A_9 = arith.constant 0 : index
    %get3A_10 = arith.constant 0 : index
    %get3A_11 = vector.load %arg1[%get3A_9, %get3A_10] : memref<10000x16xf32, #tpu.memory_space<vmem>>, vector<10000x16xf32>
    %get3A_12 = arith.constant 0 : index
    %get3A_13 = arith.constant 0 : index
    %get3A_14 = vector.load %arg2[%get3A_12, %get3A_13] : memref<16x16xf32, #tpu.memory_space<vmem>>, vector<16x16xf32>
    %dot_general3A = arith.constant dense<0.000000e+00> : vector<10000x16xf32>
    %dot_general3A_15 = tpu.matmul %get3A_11, %get3A_14, %dot_general3A {dimension_numbers = #tpu.dot_dimension_numbers<[1], [0], [0], [1], [0, 0, 1, 1], [], []>, transpose_lhs_hint = false} : vector<10000x16xf32>, vector<16x16xf32>, vector<10000x16xf32> -> vector<10000x16xf32>
    %add3A_16 = arith.addf %add3A, %dot_general3A_15 : vector<10000x16xf32>
    %get3A_17 = arith.constant 0 : index
    %get3A_18 = arith.constant 0 : index
    %get3A_19 = vector.load %arg3[%get3A_17, %get3A_18] : memref<1x16xf32, #tpu.memory_space<vmem>>, vector<1x16xf32>
    %add3A_20 = vector.broadcast %get3A_19 : vector<1x16xf32> to vector<10000x16xf32>
    %add3A_21 = arith.addf %add3A_16, %add3A_20 : vector<10000x16xf32>
    %reduce_sum3A = arith.constant dense<0.000000e+00> : vector<16xf32>
    %reduce_sum3A_22 = vector.multi_reduction <add>, %add3A_21, %reduce_sum3A [0] : vector<10000x16xf32> to vector<16xf32>
    %broadcast_in_dim3A = vector.shape_cast %reduce_sum3A_22 : vector<16xf32> to vector<1x16xf32>
    %div3A = arith.constant 1.000000e+04 : f32
    %div3A_23 = vector.broadcast %div3A : f32 to vector<1x16xf32>
    %div3A_24 = arith.divf %broadcast_in_dim3A, %div3A_23 : vector<1x16xf32>
    %sub3A = vector.broadcast %div3A_24 : vector<1x16xf32> to vector<10000x16xf32>
    %sub3A_25 = arith.subf %add3A_21, %sub3A : vector<10000x16xf32>
    %mul3A = arith.mulf %sub3A_25, %sub3A_25 : vector<10000x16xf32>
    %reduce_sum3A_26 = arith.constant dense<0.000000e+00> : vector<16xf32>
    %reduce_sum3A_27 = vector.multi_reduction <add>, %mul3A, %reduce_sum3A_26 [0] : vector<10000x16xf32> to vector<16xf32>
    %broadcast_in_dim3A_28 = vector.shape_cast %reduce_sum3A_27 : vector<16xf32> to vector<1x16xf32>
    %div3A_29 = arith.constant 1.000000e+04 : f32
    %div3A_30 = vector.broadcast %div3A_29 : f32 to vector<1x16xf32>
    %div3A_31 = arith.divf %broadcast_in_dim3A_28, %div3A_30 : vector<1x16xf32>
    %add3A_32 = arith.constant 9.99999974E-6 : f32
    %add3A_33 = vector.broadcast %add3A_32 : f32 to vector<1x16xf32>
    %add3A_34 = arith.addf %div3A_31, %add3A_33 : vector<1x16xf32>
    %sqrt3A = math.sqrt %add3A_34 : vector<1x16xf32>
    %div3A_35 = vector.broadcast %sqrt3A : vector<1x16xf32> to vector<10000x16xf32>
    %div3A_36 = arith.divf %sub3A_25, %div3A_35 : vector<10000x16xf32>
    %get3A_37 = arith.constant 0 : index
    %get3A_38 = arith.constant 0 : index
    %get3A_39 = vector.load %arg4[%get3A_37, %get3A_38] : memref<1x16xf32, #tpu.memory_space<vmem>>, vector<1x16xf32>
    %mul3A_40 = vector.broadcast %get3A_39 : vector<1x16xf32> to vector<10000x16xf32>
    %mul3A_41 = arith.mulf %div3A_36, %mul3A_40 : vector<10000x16xf32>
    %get3A_42 = arith.constant 0 : index
    %get3A_43 = arith.constant 0 : index
    %get3A_44 = vector.load %arg5[%get3A_42, %get3A_43] : memref<1x16xf32, #tpu.memory_space<vmem>>, vector<1x16xf32>
    %add3A_45 = vector.broadcast %get3A_44 : vector<1x16xf32> to vector<10000x16xf32>
    %add3A_46 = arith.addf %mul3A_41, %add3A_45 : vector<10000x16xf32>
    %max3A = arith.constant 0.000000e+00 : f32
    %max3A_47 = vector.broadcast %max3A : f32 to vector<10000x16xf32>
    %max3A_48 = arith.maximumf %add3A_46, %max3A_47 : vector<10000x16xf32>
    %get3A_49 = arith.constant 0 : index
    %get3A_50 = arith.constant 0 : index
    %get3A_51 = vector.load %arg6[%get3A_49, %get3A_50] : memref<16x64xf32, #tpu.memory_space<vmem>>, vector<16x64xf32>
    %dot_general3A_52 = arith.constant dense<0.000000e+00> : vector<10000x64xf32>
    %dot_general3A_53 = tpu.matmul %max3A_48, %get3A_51, %dot_general3A_52 {dimension_numbers = #tpu.dot_dimension_numbers<[1], [0], [0], [1], [0, 0, 1, 1], [], []>, transpose_lhs_hint = false} : vector<10000x16xf32>, vector<16x64xf32>, vector<10000x64xf32> -> vector<10000x64xf32>
    %get3A_54 = arith.constant 0 : index
    %get3A_55 = vector.load %arg7[%get3A_54] : memref<64xf32, #tpu.memory_space<vmem>>, vector<64xf32>
    %broadcast_in_dim3A_56 = vector.shape_cast %get3A_55 : vector<64xf32> to vector<1x64xf32>
    %add3A_57 = vector.broadcast %broadcast_in_dim3A_56 : vector<1x64xf32> to vector<10000x64xf32>
    %add3A_58 = arith.addf %dot_general3A_53, %add3A_57 : vector<10000x64xf32>
    %swap3A = arith.constant 0 : index
    %swap3A_59 = arith.constant 0 : index
    %swap3A_60 = vector.load %arg8[%swap3A, %swap3A_59] : memref<10000x64xf32, #tpu.memory_space<vmem>>, vector<10000x64xf32>
    tpu.vector_store %arg8[%swap3A, %swap3A_59], %add3A_58 {strides = array<i32>} : memref<10000x64xf32, #tpu.memory_space<vmem>>, vector<10000x64xf32>,
    return
  }
}

</mosaic_0001>

<sc_bundles>
// kernel: kernel.10.cloned.1.call-start
scs
__scs_entry_jumppad:
0x0: {  	(pc) =	sbr.rel $0x88, $3  }
0x1: {  	(tag) =	ssettag $0x0;
	lr =	simm.s32 $0x1  }
0x2: {  	[smem:$0x3F84] =	sst lr;
	_ =	strace $0xD0000000  }
0x3: {  	_ = 	snop  }
0x4: {  	_ = 	snop  }
0x5: {  	_ = 	snop  }
0x6: {  	_ = 	snop  }
0x7: {  	_ = 	snop  }
__scs_overlays_trampoline_lowered:
0x8: {  	[smem:$0x3F93] =	sst s0  }
0x9: {  	[smem:$0x3F94] =	sst s1  }
0xa: {  	[smem:$0x3F95] =	sst s2  }
0xb: {  	[smem:$0x3F96] =	sst s3  }
0xc: {  	[smem:$0x3F97] =	sst s4  }
0xd: {  	[smem:$0x3F98] =	sst s5  }
0xe: {  	[smem:$0x3F99] =	sst s6  }
0xf: {  	[smem:$0x3F9A] =	sst s7  }
0x10: {  	[smem:$0x3F9B] =	sst s8  }
0x11: {  	[smem:$0x3F9C] =	sst s9;
	s0 =	simm.s32 @!p0 $0x0  }
0x12: {  	s1 =	sld [smem:$0x3F82];
	s0 =	simm.s32 @p0 $0x1  }
0x13: {  	[smem:$0x3F9D] =	sst s0;
	s0 =	simm.s32 @!p1 $0x0  }
0x14: {  	s2 =	sld [smem:$0x3F81];
	s0 =	simm.s32 @p1 $0x1  }
0x15: {  	[smem:$0x3F9E] =	sst s0;
	s0 =	simm.s32 @!p2 $0x0  }
0x16: {  	s3 =	sld [smem:$0x3FDB];
	s0 =	simm.s32 @p2 $0x1  }
0x17: {  	s4 =	simm.s32 $0x1BF5;
	[smem:$0x3FA0] =	sst s0  }
0x18: {  	s0 =	sld [smem:$0x3F83];
	_ =	swait.ge [sflag:s4], $0x0  }
0x19: {  	s7 =	sld [smem:$0x3F84]  }
0x1a: {  	s8 =	sadd.s32 $0xFFFFE003, lr  }
0x1b: {  	s9 =	sadd.s32 $0xFFFFFEF7, lr;
	s5 =	simm.s32 $0xFFFFFFFF;
	p2 =	slt.u32 s8, $0xFFFFF086  }
0x1c: {  	p1 =	slt.u32 s9, $0xF7A;
	s5 =	simm.s32 @!p2 $0x0  }
0x1d: {  	s5 =	simm.s32 @p1 $0x1;
	p0 =	seq.s32 s7, s2  }
0x1e: {  	s7 =	smul.u32 @!p0 $0xF7A, s2;
	p2 =	seq.s32 @!p0 s5, $0x0  }
0x1f: {  	s9 =	smul.u32 $0xF7A, s1;
	s8 =	simm.s32 @!p0 $0x1BF5;
	p2 =	por !p2, p0  }
0x20: {  	[sflag:s8] =	ssyncset.s32 @!p0 $0xFFFFF086;
	s6 =	sadd.s32 @!p0 s3, s7;
	s7 =	simm.s32 @!p0 $0x108  }
0x21: {  	s3 =	sadd.s32 s3, s9;
	s6 =	sadd.s32 @!p0 $0x88, s6;
	s7 =	simm.s32 @p2 $0x1082  }
0x22: {  	[simem:s7], [sflag:s8] =	dma.local @!p0 [hbm:s6], $0xF7A  }
0x23: {  	s9 =	sor.u32 $0xD0000000, s2;
	s6 =	simm.s32 $0x108;
	_ =	swait.ge @!p0 [sflag:s8], $0x0  }
0x24: {  	s3 =	sadd.s32 $0x88, s3;
	s6 =	simm.s32 @!p1 $0x1082;
	[sflag:s4] =	ssyncset.s32 $0xFFFFF086  }
0x25: {  	[simem:s6], [sflag:s4] =	dma.local [hbm:s3], $0xF7A  }
0x26: {  	[smem:$0x3F84] =	sst s1;
	(tag) =	ssettag s2;
	_ =	strace s9  }
0x27: {  	s1 =	sld [smem:$0x3F94]  }
0x28: {  	s2 =	sld [smem:$0x3F95]  }
0x29: {  	s4 =	sld [smem:$0x3F97]  }
0x2a: {  	p0 =	seq.s32 s5, $0x0;
	s5 =	sld [smem:$0x3F98]  }
0x2b: {  	s6 =	sld [smem:$0x3F99]  }
0x2c: {  	s7 =	sld [smem:$0x3F9A]  }
0x2d: {  	s3 =	simm.s32 $0x108;
	s8 =	sld [smem:$0x3F9B]  }
0x2e: {  	s3 =	simm.s32 @!p0 $0x1082;
	s9 =	sld [smem:$0x3F9C]  }
0x2f: {  	lr =	sadd.s32 s0, s3;
	s0 =	sld [smem:$0x3F93]  }
0x30: {  	s3 =	sld [smem:$0x3F96]  }
0x31: {  	[smem:$0x3F9F] =	sst s10  }
0x32: {  	s10 =	sld [smem:$0x3F9D];
	_ =	sdelay $0x3  }
0x33: {  	p0 =	seq.s32 s10, $0x1;
	s10 =	sld [smem:$0x3F9F];
	_ =	sdelay $0x3  }
0x34: {  	[smem:$0x3F9F] =	sst s10  }
0x35: {  	s10 =	sld [smem:$0x3F9E];
	_ =	sdelay $0x3  }
0x36: {  	p1 =	seq.s32 s10, $0x1;
	s10 =	sld [smem:$0x3F9F];
	_ =	sdelay $0x3  }
0x37: {  	[smem:$0x3F9F] =	sst s10  }
0x38: {  	s10 =	sld [smem:$0x3FA0]  }
0x39: {  	_ = 	snop;
	(pc) =	sbr.ind lr, $3  }
0x3a: {  	_ = 	snop  }
0x3b: {  	_ = 	snop  }
0x3c: {  	p2 =	seq.s32 s10, $0x1;
	s10 =	sld [smem:$0x3F9F]  }
0x3d: {  	_ =	shalt  }
0x3e: {  	_ =	shalt  }
0x3f: {  	_ =	shalt  }
0x40: {  	_ =	shalt  }
0x41: {  	_ =	shalt  }
0x42: {  	_ =	shalt  }
0x43: {  	_ =	shalt  }
0x44: {  	_ =	shalt  }
0x45: {  	_ =	shalt  }
0x46: {  	_ =	shalt  }
0x47: {  	_ =	shalt  }
0x48: {  	_ =	shalt  }
0x49: {  	_ =	shalt  }
0x4a: {  	_ =	shalt  }
0x4b: {  	_ =	shalt  }
0x4c: {  	_ =	shalt  }
0x4d: {  	_ =	shalt  }
0x4e: {  	_ =	shalt  }
0x4f: {  	_ =	shalt  }
0x50: {  	_ =	shalt  }
0x51: {  	_ =	shalt  }
0x52: {  	_ =	shalt  }
0x53: {  	_ =	shalt  }
0x54: {  	_ =	shalt  }
0x55: {  	_ =	shalt  }
0x56: {  	_ =	shalt  }
0x57: {  	_ =	shalt  }
0x58: {  	_ =	shalt  }
0x59: {  	_ =	shalt  }
0x5a: {  	_ =	shalt  }
0x5b: {  	_ =	shalt  }
0x5c: {  	_ =	shalt  }
0x5d: {  	_ =	shalt  }
0x5e: {  	_ =	shalt  }
0x5f: {  	_ =	shalt  }
0x60: {  	_ =	shalt  }
0x61: {  	_ =	shalt  }
0x62: {  	_ =	shalt  }
0x63: {  	_ =	shalt  }
0x64: {  	_ =	shalt  }
0x65: {  	_ =	shalt  }
0x66: {  	_ =	shalt  }
0x67: {  	_ =	shalt  }
0x68: {  	_ =	shalt  }
0x69: {  	_ =	shalt  }
0x6a: {  	_ =	shalt  }
0x6b: {  	_ =	shalt  }
0x6c: {  	_ =	shalt  }
0x6d: {  	_ =	shalt  }
0x6e: {  	_ =	shalt  }
0x6f: {  	_ =	shalt  }
0x70: {  	_ =	shalt  }
0x71: {  	_ =	shalt  }
0x72: {  	_ =	shalt  }
0x73: {  	_ =	shalt  }
0x74: {  	_ =	shalt  }
0x75: {  	_ =	shalt  }
0x76: {  	_ =	shalt  }
0x77: {  	_ =	shalt  }
0x78: {  	_ =	shalt  }
0x79: {  	_ =	shalt  }
0x7a: {  	_ =	shalt  }
0x7b: {  	_ =	shalt  }
0x7c: {  	_ =	shalt  }
0x7d: {  	_ =	shalt  }
0x7e: {  	_ =	shalt  }
0x7f: {  	_ =	shalt  }
0x80: {  	_ =	shalt  }
0x81: {  	_ =	shalt  }
0x82: {  	_ =	shalt  }
0x83: {  	_ =	shalt  }
0x84: {  	_ =	shalt  }
0x85: {  	_ =	shalt  }
0x86: {  	_ =	shalt  }
0x87: {  	_ =	shalt  }
.Lfunc_end0:
.L_simem_size_0:
called_computation_lowered:
.L_overlay_start_0:
0x88: {  	s2 =	sld [smem:$0x3FD9]  }
0x89: {  	s3 =	sld [smem:$0x3FFE];
	_ =	sdelay $0x1  }
0x8a: {  	s1 =	srdreg.scid  }
0x8b: {  	s0 =	sand.u32 $0x1, s1  }
0x8c: {  	s17 =	sshll.u32 s0, $0xA;
	s2 =	sadd.s32 s3, s2  }
0x8d: {  	s2 =	sadd.s32 s2, s17  }
0x8e: {  	[smem:$0x3FAB] =	sst s2  }
0x8f: {  	_ = 	snop  }
0x90: {  	s2 =	sld [smem:$0x3FC9];
	(tm) =	ssettm $0x1  }
0x91: {  	s18 =	sld [smem:$0x3FFB];
	_ =	sdelay $0x3  }
0x92: {  	_ =	strace s18  }
0x93: {  	s3 =	sld [smem:$0x3FFC];
	_ =	sdelay $0x3  }
0x94: {  	_ =	strace s3  }
0x95: {  	s3 =	sld [smem:$0x3FFD];
	_ =	sdelay $0x3  }
0x96: {  	_ =	strace s3  }
0x97: {  	_ =	strace $0x8FFFFFFF  }
0x98: {  	s19 =	sld [smem:$0x3FDB];
	_ =	sdelay $0x1  }
0x99: {  	s4 =	simm.s32 $_scs_section_size  }
0x9a: {  	s5 =	simm.s32 $_size__tile_overlayer_lowered;
	s6 =	simm.s32 $_tile_overlayer_lowered  }
0x9b: {  	s22 =	simm.s32 $0x1BFF;
	s21 =	sshll.u32 s6, $0x1;
	s3 =	sadd.s32 s4, s19  }
0x9c: {  	s7 =	simm.s32 $0x0;
	s20 =	sshll.u32 s5, $0x1;
	s5 =	sadd.s32 s21, s3  }
0x9d: {  	[timem:s7], [sflag:s22] =	dma.local [hbm:s5], s20  }
0x9e: {  	_ =	swait.ge [sflag:s22], s20  }
0x9f: {  	s4 =	ssub.s32 $0x0, s20;
	[sflag:s22] =	ssyncset.done $0x0  }
0xa0: {  	[sflag:s22] =	ssyncadd.s32 s4;
	_ =	sdelay $0x1  }
0xa1: {  	s23 =	simm.s32 $0x1B8B  }
0xa2: {  	_ =	swait.ge [sflag:s23], $0x1  }
0xa3: {  	[sflag:s23] =	ssyncset.done $0x0  }
0xa4: {  	s25 =	simm.s32 $0x1B8E;
	s24 =	sld [smem:$0x3FFE];
	[sflag:s23] =	ssyncadd.s32 $0xFFFFFFFF  }
0xa5: {  	s26 =	simm.s32 $execute0_lowered;
	[smem:$0x3FD2] =	sst s25  }
0xa6: {  	s5 =	sshll.u32 s26, $0x1;
	_ =	strace $0x80000046;
	[dreg:$0x1] =	wrdreg $0xFFFFFFFF  }
0xa7: {  	s28 =	simm.s32 $_size_execute0_lowered;
	s3 =	sadd.s32 s3, s5;
	[dreg:$0x0] =	wrdreg $0x0  }
0xa8: {  	s5 =	sshll.u32 s28, $0x1;
	[dreg:$0x2] =	wrdreg s3  }
0xa9: {  	[dreg:$0x3] =	wrdreg s5  }
0xaa: {  	[dreg:$0x4] =	wrdreg $0xC0  }
0xab: {  	_ =	task [dreg:s7], $0x5FFFF  }
0xac: {  	[dreg:$0x1] =	wrdreg $0xFFFFFFFF  }
0xad: {  	[dreg:$0x0] =	wrdreg $0x60  }
0xae: {  	[dreg:$0x2] =	wrdreg s2  }
0xaf: {  	[dreg:$0x3] =	wrdreg s24  }
0xb0: {  	[dreg:$0x4] =	wrdreg $0x9  }
0xb1: {  	_ =	task.clear_ibuf [dreg:s7], $0x5FFFF;
	_ =	strace $0x90000046  }
0xb2: {  	s29 =	simm.s32 $0x9;
	_ =	strace $0x80000048  }
0xb3: {  	_ =	swait.ge [sflag:s29], $0x1  }
0xb4: {  	[sflag:s29] =	ssyncadd.s32 $0xFFFFFFFF  }
0xb5: {  	_ =	strace $0x90000048  }
0xb6: {  	_ =	sfence  }
0xb7: {  	s30 =	sld [smem:$0x0];
	_ =	sdelay $0x2  }
0xb8: {  	s31 =	sshll.u32 s1, $0xD;
	s1 =	sshrl.u32 s1, $0x2  }
0xb9: {  	s3 =	sand.u32 $0x4000, s31;
	s1 =	sadd.s32 s1, s30  }
0xba: {  	s0 =	sor.u32 s3, s0;
	s1 =	sshll.u32 s1, $0x11  }
0xbb: {  	s0 =	sor.u32 s1, s0  }
0xbc: {  	s0 =	sadd.s32 $0x8F2B, s0  }
0xbd: {  	[sflag:s0] =	ssyncadd.remote.s32 $0x1  }
0xbe: {  	_ =	sfence.sel $0xFFFF  }
0xbf: {  	[dreg:$0x0] =	wrdreg $0xFFFFFFFF;
	(pc) =	sbr.abs _section_cstart, $3  }
0xc0: {  	[dreg:$0x1] =	wrdreg $0xFFFFFFFF  }
0xc1: {  	_ =	task.clear_ibuf [dreg:s7], $0x2FFFF;
	_ =	strace $0x9FFFFFFF  }
0xc2: {  	(tm) =	ssettm $0x7FFFFFFF  }
0xc3: {  	_ =	shalt  }
tec
execute0_lowered:
.L_overlay_start_1:
0x0: {  	(tag) =	ssettag $0x1  }
0x1: {  	s1 =	rddreg [dreg:$0x0]  }
0x2: {  	s4 =	rddreg [dreg:$0x1]  }
0x3: {  	s0 =	rddreg [dreg:$0x2]  }
0x4: {  	s3 =	simm.s32 $0x0;
	s5 =	srdreg.scid;
	s2 =	stileid.u32  }
0x5: {  	[smem:$0x7FF] =	sst s3;
	s5 =	sand.u32 $0x1, s5;
	s6 =	sshll.u32 s2, $0x5  }
0x6: {  	s7 =	sshll.u32 s2, $0xC;
	_ =	strace $0x80000047;
	s8 =	ssub.s32 $0x2, s5  }
0x7: {  	s6 =	sadd.s32 s6, s4;
	s7 =	sadd.s32 s7, s4;
	s9 =	sshll.u32 s5, $0xB  }
0x8: {  	s5 =	sshll.u32 s5, $0x4;
	s4 =	sshll.u32 s2, $0x1;
	s30 =	sshrl.u32 s8, $0x1  }
0x9: {  	s7 =	sadd.s32 s9, s7;
	s31 =	sadd.s32 s5, s6;
	s8 =	ssub.s32 s8, s30  }
0xa: {  	s6 =	sadd.s32 $0x10200, s7;
	s7 =	sadd.s32 $0x6200, s31;
	s5 =	smax.u32 s8, $0x1  }
.LBB2_1:
0xb: {  	s8 =	sadd.s32 $0x0, s4  }
0xc: {  	p0 =	sgt.u32 s8, $0x4E1  }
0xd: {  	s8 =	simm.s32 @!p0 $0x0;
	s9 =	simm.s32 @!p0 $0x3  }
0xe: {  	[tilespmem:s8], [sflag:$0x3] =	stream.linear.gather @!p0 [hbm4b:s7+s8], $0x80, $0x38;
	[tilespmem:$0x4080] =	vst v63  }
0xf: {  	_ =	swait.ge @!p0 [sflag:s9], $0x80  }
0x10: {  	[sflag:s9] =	ssyncset.done @!p0 $0x0;
	p0 =	por p0, p0  }
0x11: {  	[sflag:s9] =	ssyncadd.s32 @!p0 $0xFFFFFF80;
	s10 =	simm.s32 @!p0 $0x80;
	s11 =	simm.s32 @!p0 $0x1  }
0x12: {  	[tilespmem:s10], [sflag:$0x1] =	stream.indirect.gather @!p0 [hbm4b:s1+s10], $0x80, s8, s10, $0xb8;
	[tilespmem:$0x4080] =	vst v63  }
0x13: {  	_ =	swait.ge @!p0 [sflag:s11], $0x4000  }
0x14: {  	[sflag:s11] =	ssyncset.done @!p0 $0x0  }
0x15: {  	s31 =	sadd.s32 $0x20, s4;
	[sflag:s11] =	ssyncadd.s32 @!p0 $0xFFFFC000;
	s11 =	simm.s32 @!p0 $0x2  }
0x16: {  	[hbm4b:s6+s8] =	stream.linear.scatter @!p0 [tilespmem:s10], [sflag:$0x2], $0x4000, $0x38;
	[tilespmem:$0x4080] =	vst v63  }
0x17: {  	p1 =	sgt.u32 s31, $0x4E1;
	s9 =	simm.s32 $0x40;
	_ =	swait.ge @!p0 [sflag:s11], $0x4000  }
0x18: {  	s10 =	sadd.s32 $0x200, s7;
	s8 =	sadd.s32 $0x10000, s6;
	[sflag:s11] =	ssyncset.done @!p0 $0x0  }
.LBB2_2:
0x19: {  	s12 =	simm.s32 @!p1 $0x0;
	s13 =	simm.s32 @!p1 $0x3;
	[sflag:s11] =	ssyncadd.s32 @!p0 $0xFFFFC000  }
0x1a: {  	[tilespmem:s12], [sflag:$0x3] =	stream.linear.gather @!p1 [hbm4b:s10+s12], $0x80, $0x38;
	[tilespmem:$0x4080] =	vst v63  }
0x1b: {  	s14 =	smov.u32 s9;
	s9 =	sadd.s32 $0x20, s9;
	_ =	swait.ge @!p1 [sflag:s13], $0x80  }
0x1c: {  	p0 =	por p1, p1;
	p2 =	sne.s32 s9, $0x500;
	[sflag:s13] =	ssyncset.done @!p1 $0x0  }
0x1d: {  	s11 =	simm.s32 @!p0 $0x1;
	[sflag:s13] =	ssyncadd.s32 @!p0 $0xFFFFFF80;
	s13 =	simm.s32 @!p0 $0x80  }
0x1e: {  	[tilespmem:s13], [sflag:$0x1] =	stream.indirect.gather @!p0 [hbm4b:s1+s13], $0x80, s12, s13, $0xb8;
	[tilespmem:$0x4080] =	vst v63  }
0x1f: {  	_ =	swait.ge @!p0 [sflag:s11], $0x4000  }
.Ltmp0:
0x20: {  	[sflag:s11] =	ssyncset.done @!p0 $0x0;
	(pc) =	sbr.rel @p2 .LBB2_2-.Ltmp0, $4  }
0x21: {  	[sflag:s11] =	ssyncadd.s32 @!p0 $0xFFFFC000;
	s11 =	simm.s32 @!p0 $0x2  }
0x22: {  	[hbm4b:s8+s12] =	stream.linear.scatter @!p0 [tilespmem:s13], [sflag:$0x2], $0x4000, $0x38;
	[tilespmem:$0x4080] =	vst v63  }
0x23: {  	s10 =	sadd.s32 $0x200, s10;
	s12 =	sadd.s32 s14, s4;
	_ =	swait.ge @!p0 [sflag:s11], $0x4000  }
0x24: {  	s8 =	sadd.s32 $0x10000, s8;
	p1 =	sgt.u32 s12, $0x4E1;
	[sflag:s11] =	ssyncset.done @!p0 $0x0  }
0x25: {  	s9 =	simm.s32 @!p1 $0x0;
	s12 =	simm.s32 @!p1 $0x3;
	[sflag:s11] =	ssyncadd.s32 @!p0 $0xFFFFC000  }
0x26: {  	[tilespmem:s9], [sflag:$0x3] =	stream.linear.gather @!p1 [hbm4b:s10+s9], $0x80, $0x38;
	[tilespmem:$0x4080] =	vst v63  }
0x27: {  	_ =	swait.ge @!p1 [sflag:s12], $0x80  }
0x28: {  	p0 =	por p1, p1;
	[sflag:s12] =	ssyncset.done @!p1 $0x0  }
0x29: {  	s10 =	simm.s32 @!p0 $0x80;
	s11 =	simm.s32 @!p0 $0x1;
	[sflag:s12] =	ssyncadd.s32 @!p0 $0xFFFFFF80  }
0x2a: {  	[tilespmem:s10], [sflag:$0x1] =	stream.indirect.gather @!p0 [hbm4b:s1+s10], $0x80, s9, s10, $0xb8;
	[tilespmem:$0x4080] =	vst v63  }
0x2b: {  	s3 =	sadd.s32 $0x1, s3;
	_ =	swait.ge @!p0 [sflag:s11], $0x4000  }
0x2c: {  	p1 =	sne.s32 s3, s5;
	[sflag:s11] =	ssyncset.done @!p0 $0x0  }
.Ltmp1:
0x2d: {  	[sflag:s11] =	ssyncadd.s32 @!p0 $0xFFFFC000;
	s11 =	simm.s32 @!p0 $0x2;
	(pc) =	sbr.rel @p1 .LBB2_1-.Ltmp1, $4  }
0x2e: {  	[hbm4b:s8+s9] =	stream.linear.scatter @!p0 [tilespmem:s10], [sflag:$0x2], $0x4000, $0x38;
	[tilespmem:$0x4080] =	vst v63  }
0x2f: {  	_ =	swait.ge @!p0 [sflag:s11], $0x4000  }
0x30: {  	[sflag:s11] =	ssyncset.done @!p0 $0x0  }
0x31: {  	[sflag:s11] =	ssyncadd.s32 @!p0 $0xFFFFC000  }
0x32: {  	_ =	sfence.sel $0x180000  }
0x33: {  	[bflag:$0x0] =	sbarrier.arrive $0xFFFF  }
0x34: {  	p0 =	sne.s32 s2, $0x0;
	_ =	strace $0x90000047  }
0x35: {  	s0 =	sadd.s32 @!p0 $0x100000, s0;
	[bflag:$0x2] =	sbarrier.arrive $0xFFFF  }
0x36: {  	[sflag:s0] =	ssyncadd.tile.s32 @!p0 $0x1;
	_ =	shalt  }
.Lfunc_end2:
_tile_overlayer_lowered:
.L_overlay_start_2:
0x37: {  	(tag) =	ssettag $0x2  }
0x38: {  	s0 =	rddreg [dreg:$0x0];
	s2 =	stileid.u32  }
0x39: {  	s1 =	rddreg [dreg:$0x1];
	p0 =	sne.s32 s2, $0x0  }
0x3a: {  	s3 =	rddreg [dreg:$0x2];
	[bflag:$0x3] =	sbarrier.arrive $0xFFFF;
	s2 =	simm.s32 @!p0 $0x1C02  }
0x3b: {  	[timem:s3], [sflag:s2] =	dma.local @!p0 [hbm:s0], s1  }
0x3c: {  	s0 =	simm.s32 @!p0 $0x2  }
0x3d: {  	_ =	swait.ge @!p0 [sflag:s0], s1  }
0x3e: {  	s1 =	ssub.s32 @!p0 $0x0, s1;
	[sflag:s0] =	ssyncset.done @!p0 $0x0  }
0x3f: {  	[sflag:s0] =	ssyncadd.s32 @!p0 s1  }
0x40: {  	[bflag:$0x3] =	sbarrier.arrive $0xFFFF  }
0x41: {  	_ =	shalt  }

// kernel: kernel.13.cloned.1.call-start
scs
__scs_entry_jumppad:
0x0: {  	(pc) =	sbr.rel $0x88, $3  }
0x1: {  	(tag) =	ssettag $0x0;
	lr =	simm.s32 $0x1  }
0x2: {  	[smem:$0x3F84] =	sst lr;
	_ =	strace $0xD0000000  }
0x3: {  	_ = 	snop  }
0x4: {  	_ = 	snop  }
0x5: {  	_ = 	snop  }
0x6: {  	_ = 	snop  }
0x7: {  	_ = 	snop  }
__scs_overlays_trampoline_lowered:
0x8: {  	[smem:$0x3F93] =	sst s0  }
0x9: {  	[smem:$0x3F94] =	sst s1  }
0xa: {  	[smem:$0x3F95] =	sst s2  }
0xb: {  	[smem:$0x3F96] =	sst s3  }
0xc: {  	[smem:$0x3F97] =	sst s4  }
0xd: {  	[smem:$0x3F98] =	sst s5  }
0xe: {  	[smem:$0x3F99] =	sst s6  }
0xf: {  	[smem:$0x3F9A] =	sst s7  }
0x10: {  	[smem:$0x3F9B] =	sst s8  }
0x11: {  	[smem:$0x3F9C] =	sst s9;
	s0 =	simm.s32 @!p0 $0x0  }
0x12: {  	s1 =	sld [smem:$0x3F82];
	s0 =	simm.s32 @p0 $0x1  }
0x13: {  	[smem:$0x3F9D] =	sst s0;
	s0 =	simm.s32 @!p1 $0x0  }
0x14: {  	s2 =	sld [smem:$0x3F81];
	s0 =	simm.s32 @p1 $0x1  }
0x15: {  	[smem:$0x3F9E] =	sst s0;
	s0 =	simm.s32 @!p2 $0x0  }
0x16: {  	s3 =	sld [smem:$0x3FDB];
	s0 =	simm.s32 @p2 $0x1  }
0x17: {  	s4 =	simm.s32 $0x1BF5;
	[smem:$0x3FA0] =	sst s0  }
0x18: {  	s0 =	sld [smem:$0x3F83];
	_ =	swait.ge [sflag:s4], $0x0  }
0x19: {  	s7 =	sld [smem:$0x3F84]  }
0x1a: {  	s8 =	sadd.s32 $0xFFFFE003, lr  }
0x1b: {  	s9 =	sadd.s32 $0xFFFFFEF7, lr;
	s5 =	simm.s32 $0xFFFFFFFF;
	p2 =	slt.u32 s8, $0xFFFFF086  }
0x1c: {  	p1 =	slt.u32 s9, $0xF7A;
	s5 =	simm.s32 @!p2 $0x0  }
0x1d: {  	s5 =	simm.s32 @p1 $0x1;
	p0 =	seq.s32 s7, s2  }
0x1e: {  	s7 =	smul.u32 @!p0 $0xF7A, s2;
	p2 =	seq.s32 @!p0 s5, $0x0  }
0x1f: {  	s9 =	smul.u32 $0xF7A, s1;
	s8 =	simm.s32 @!p0 $0x1BF5;
	p2 =	por !p2, p0  }
0x20: {  	[sflag:s8] =	ssyncset.s32 @!p0 $0xFFFFF086;
	s6 =	sadd.s32 @!p0 s3, s7;
	s7 =	simm.s32 @!p0 $0x108  }
0x21: {  	s3 =	sadd.s32 s3, s9;
	s6 =	sadd.s32 @!p0 $0x88, s6;
	s7 =	simm.s32 @p2 $0x1082  }
0x22: {  	[simem:s7], [sflag:s8] =	dma.local @!p0 [hbm:s6], $0xF7A  }
0x23: {  	s9 =	sor.u32 $0xD0000000, s2;
	s6 =	simm.s32 $0x108;
	_ =	swait.ge @!p0 [sflag:s8], $0x0  }
0x24: {  	s3 =	sadd.s32 $0x88, s3;
	s6 =	simm.s32 @!p1 $0x1082;
	[sflag:s4] =	ssyncset.s32 $0xFFFFF086  }
0x25: {  	[simem:s6], [sflag:s4] =	dma.local [hbm:s3], $0xF7A  }
0x26: {  	[smem:$0x3F84] =	sst s1;
	(tag) =	ssettag s2;
	_ =	strace s9  }
0x27: {  	s1 =	sld [smem:$0x3F94]  }
0x28: {  	s2 =	sld [smem:$0x3F95]  }
0x29: {  	s4 =	sld [smem:$0x3F97]  }
0x2a: {  	p0 =	seq.s32 s5, $0x0;
	s5 =	sld [smem:$0x3F98]  }
0x2b: {  	s6 =	sld [smem:$0x3F99]  }
0x2c: {  	s7 =	sld [smem:$0x3F9A]  }
0x2d: {  	s3 =	simm.s32 $0x108;
	s8 =	sld [smem:$0x3F9B]  }
0x2e: {  	s3 =	simm.s32 @!p0 $0x1082;
	s9 =	sld [smem:$0x3F9C]  }
0x2f: {  	lr =	sadd.s32 s0, s3;
	s0 =	sld [smem:$0x3F93]  }
0x30: {  	s3 =	sld [smem:$0x3F96]  }
0x31: {  	[smem:$0x3F9F] =	sst s10  }
0x32: {  	s10 =	sld [smem:$0x3F9D];
	_ =	sdelay $0x3  }
0x33: {  	p0 =	seq.s32 s10, $0x1;
	s10 =	sld [smem:$0x3F9F];
	_ =	sdelay $0x3  }
0x34: {  	[smem:$0x3F9F] =	sst s10  }
0x35: {  	s10 =	sld [smem:$0x3F9E];
	_ =	sdelay $0x3  }
0x36: {  	p1 =	seq.s32 s10, $0x1;
	s10 =	sld [smem:$0x3F9F];
	_ =	sdelay $0x3  }
0x37: {  	[smem:$0x3F9F] =	sst s10  }
0x38: {  	s10 =	sld [smem:$0x3FA0]  }
0x39: {  	_ = 	snop;
	(pc) =	sbr.ind lr, $3  }
0x3a: {  	_ = 	snop  }
0x3b: {  	_ = 	snop  }
0x3c: {  	p2 =	seq.s32 s10, $0x1;
	s10 =	sld [smem:$0x3F9F]  }
0x3d: {  	_ =	shalt  }
0x3e: {  	_ =	shalt  }
0x3f: {  	_ =	shalt  }
0x40: {  	_ =	shalt  }
0x41: {  	_ =	shalt  }
0x42: {  	_ =	shalt  }
0x43: {  	_ =	shalt  }
0x44: {  	_ =	shalt  }
0x45: {  	_ =	shalt  }
0x46: {  	_ =	shalt  }
0x47: {  	_ =	shalt  }
0x48: {  	_ =	shalt  }
0x49: {  	_ =	shalt  }
0x4a: {  	_ =	shalt  }
0x4b: {  	_ =	shalt  }
0x4c: {  	_ =	shalt  }
0x4d: {  	_ =	shalt  }
0x4e: {  	_ =	shalt  }
0x4f: {  	_ =	shalt  }
0x50: {  	_ =	shalt  }
0x51: {  	_ =	shalt  }
0x52: {  	_ =	shalt  }
0x53: {  	_ =	shalt  }
0x54: {  	_ =	shalt  }
0x55: {  	_ =	shalt  }
0x56: {  	_ =	shalt  }
0x57: {  	_ =	shalt  }
0x58: {  	_ =	shalt  }
0x59: {  	_ =	shalt  }
0x5a: {  	_ =	shalt  }
0x5b: {  	_ =	shalt  }
0x5c: {  	_ =	shalt  }
0x5d: {  	_ =	shalt  }
0x5e: {  	_ =	shalt  }
0x5f: {  	_ =	shalt  }
0x60: {  	_ =	shalt  }
0x61: {  	_ =	shalt  }
0x62: {  	_ =	shalt  }
0x63: {  	_ =	shalt  }
0x64: {  	_ =	shalt  }
0x65: {  	_ =	shalt  }
0x66: {  	_ =	shalt  }
0x67: {  	_ =	shalt  }
0x68: {  	_ =	shalt  }
0x69: {  	_ =	shalt  }
0x6a: {  	_ =	shalt  }
0x6b: {  	_ =	shalt  }
0x6c: {  	_ =	shalt  }
0x6d: {  	_ =	shalt  }
0x6e: {  	_ =	shalt  }
0x6f: {  	_ =	shalt  }
0x70: {  	_ =	shalt  }
0x71: {  	_ =	shalt  }
0x72: {  	_ =	shalt  }
0x73: {  	_ =	shalt  }
0x74: {  	_ =	shalt  }
0x75: {  	_ =	shalt  }
0x76: {  	_ =	shalt  }
0x77: {  	_ =	shalt  }
0x78: {  	_ =	shalt  }
0x79: {  	_ =	shalt  }
0x7a: {  	_ =	shalt  }
0x7b: {  	_ =	shalt  }
0x7c: {  	_ =	shalt  }
0x7d: {  	_ =	shalt  }
0x7e: {  	_ =	shalt  }
0x7f: {  	_ =	shalt  }
0x80: {  	_ =	shalt  }
0x81: {  	_ =	shalt  }
0x82: {  	_ =	shalt  }
0x83: {  	_ =	shalt  }
0x84: {  	_ =	shalt  }
0x85: {  	_ =	shalt  }
0x86: {  	_ =	shalt  }
0x87: {  	_ =	shalt  }
.Lfunc_end0:
.L_simem_size_0:
called_computation.1_lowered:
.L_overlay_start_0:
0x88: {  	s2 =	sld [smem:$0x3FD9]  }
0x89: {  	s3 =	sld [smem:$0x3FFE];
	_ =	sdelay $0x1  }
0x8a: {  	s1 =	srdreg.scid  }
0x8b: {  	s0 =	sand.u32 $0x1, s1  }
0x8c: {  	s17 =	sshll.u32 s0, $0xA;
	s2 =	sadd.s32 s3, s2  }
0x8d: {  	s2 =	sadd.s32 s2, s17  }
0x8e: {  	[smem:$0x3FAB] =	sst s2  }
0x8f: {  	_ = 	snop  }
0x90: {  	s2 =	sld [smem:$0x3FD0];
	(tm) =	ssettm $0x1  }
0x91: {  	s18 =	sld [smem:$0x3FFB];
	_ =	sdelay $0x3  }
0x92: {  	_ =	strace s18  }
0x93: {  	s3 =	sld [smem:$0x3FFC];
	_ =	sdelay $0x3  }
0x94: {  	_ =	strace s3  }
0x95: {  	s3 =	sld [smem:$0x3FFD];
	_ =	sdelay $0x3  }
0x96: {  	_ =	strace s3  }
0x97: {  	_ =	strace $0x8FFFFFFF  }
0x98: {  	s19 =	sld [smem:$0x3FDB];
	_ =	sdelay $0x1  }
0x99: {  	s4 =	simm.s32 $_scs_section_size  }
0x9a: {  	s5 =	simm.s32 $_size__tile_overlayer_lowered;
	s6 =	simm.s32 $_tile_overlayer_lowered  }
0x9b: {  	s22 =	simm.s32 $0x1BFF;
	s21 =	sshll.u32 s6, $0x1;
	s3 =	sadd.s32 s4, s19  }
0x9c: {  	s7 =	simm.s32 $0x0;
	s20 =	sshll.u32 s5, $0x1;
	s5 =	sadd.s32 s21, s3  }
0x9d: {  	[timem:s7], [sflag:s22] =	dma.local [hbm:s5], s20  }
0x9e: {  	_ =	swait.ge [sflag:s22], s20  }
0x9f: {  	s4 =	ssub.s32 $0x0, s20;
	[sflag:s22] =	ssyncset.done $0x0  }
0xa0: {  	[sflag:s22] =	ssyncadd.s32 s4;
	_ =	sdelay $0x1  }
0xa1: {  	s23 =	simm.s32 $0x1B8B  }
0xa2: {  	_ =	swait.ge [sflag:s23], $0x1  }
0xa3: {  	[sflag:s23] =	ssyncset.done $0x0  }
0xa4: {  	s25 =	simm.s32 $0x1B8E;
	s24 =	sld [smem:$0x3FFE];
	[sflag:s23] =	ssyncadd.s32 $0xFFFFFFFF  }
0xa5: {  	s26 =	simm.s32 $execute0_lowered;
	[smem:$0x3FD2] =	sst s25  }
0xa6: {  	s5 =	sshll.u32 s26, $0x1;
	_ =	strace $0x80000049;
	[dreg:$0x1] =	wrdreg $0xFFFFFFFF  }
0xa7: {  	s28 =	simm.s32 $_size_execute0_lowered;
	s3 =	sadd.s32 s3, s5;
	[dreg:$0x0] =	wrdreg $0x0  }
0xa8: {  	s5 =	sshll.u32 s28, $0x1;
	[dreg:$0x2] =	wrdreg s3  }
0xa9: {  	[dreg:$0x3] =	wrdreg s5  }
0xaa: {  	[dreg:$0x4] =	wrdreg $0xC0  }
0xab: {  	_ =	task [dreg:s7], $0x5FFFF  }
0xac: {  	[dreg:$0x1] =	wrdreg $0xFFFFFFFF  }
0xad: {  	[dreg:$0x0] =	wrdreg $0x60  }
0xae: {  	[dreg:$0x2] =	wrdreg s24  }
0xaf: {  	[dreg:$0x3] =	wrdreg s2  }
0xb0: {  	[dreg:$0x4] =	wrdreg $0x69000  }
0xb1: {  	[dreg:$0x5] =	wrdreg $0x9  }
0xb2: {  	_ =	task.clear_ibuf [dreg:s7], $0x6FFFF;
	_ =	strace $0x90000049  }
0xb3: {  	s29 =	simm.s32 $0x9;
	_ =	strace $0x8000004B  }
0xb4: {  	_ =	swait.ge [sflag:s29], $0x1  }
0xb5: {  	[sflag:s29] =	ssyncadd.s32 $0xFFFFFFFF  }
0xb6: {  	_ =	strace $0x9000004B  }
0xb7: {  	_ =	sfence  }
0xb8: {  	s30 =	sld [smem:$0x0];
	_ =	sdelay $0x2  }
0xb9: {  	s31 =	sshll.u32 s1, $0xD;
	s1 =	sshrl.u32 s1, $0x2  }
0xba: {  	s3 =	sand.u32 $0x4000, s31;
	s1 =	sadd.s32 s1, s30  }
0xbb: {  	s0 =	sor.u32 s3, s0;
	s1 =	sshll.u32 s1, $0x11  }
0xbc: {  	s0 =	sor.u32 s1, s0  }
0xbd: {  	s0 =	sadd.s32 $0x8F2B, s0  }
0xbe: {  	[sflag:s0] =	ssyncadd.remote.s32 $0x1  }
0xbf: {  	_ =	sfence.sel $0xFFFF  }
0xc0: {  	[dreg:$0x0] =	wrdreg $0xFFFFFFFF;
	(pc) =	sbr.abs _section_cstart, $3  }
0xc1: {  	[dreg:$0x1] =	wrdreg $0xFFFFFFFF  }
0xc2: {  	_ =	task.clear_ibuf [dreg:s7], $0x2FFFF;
	_ =	strace $0x9FFFFFFF  }
0xc3: {  	(tm) =	ssettm $0x7FFFFFFF  }
tec
execute0_lowered:
.L_overlay_start_1:
0x0: {  	(tag) =	ssettag $0x1  }
0x1: {  	s4 =	rddreg [dreg:$0x0]  }
0x2: {  	s6 =	rddreg [dreg:$0x1]  }
0x3: {  	s2 =	rddreg [dreg:$0x2]  }
0x4: {  	s0 =	rddreg [dreg:$0x3];
	s3 =	simm.s32 $0x0;
	s1 =	stileid.u32  }
0x5: {  	s7 =	srdreg.scid;
	[smem:$0x7FF] =	sst s3;
	s5 =	sshll.u32 s1, $0x5  }
0x6: {  	s7 =	sand.u32 $0x1, s7;
	s28 =	smul.u32 $0xA000, s1;
	s9 =	sshll.u32 s1, $0xC  }
0x7: {  	s12 =	smul.u32 $0x2800, s1;
	s8 =	sadd.s32 s5, s4;
	s10 =	ssub.s32 $0x2, s7  }
0x8: {  	s11 =	smul.u32 $0x28000, s7;
	s9 =	sadd.s32 s9, s4;
	_ =	strace $0x8000004A  }
0x9: {  	s4 =	sshll.u32 s1, $0x1;
	s30 =	sshll.u32 s7, $0xB;
	s7 =	sshll.u32 s7, $0x4  }
0xa: {  	s29 =	sshrl.u32 s10, $0x1;
	s5 =	sshrl.u32 s28, $0x2;
	s9 =	sadd.s32 s30, s9  }
0xb: {  	s31 =	sadd.s32 s7, s8;
	s10 =	ssub.s32 s10, s29;
	s5 =	sadd.s32 s5, s2  }
0xc: {  	s11 =	sadd.s32 s12, s11;
	s8 =	sadd.s32 $0x763400, s9;
	s9 =	sadd.s32 $0xB200, s31  }
0xd: {  	s12 =	simm.s32 $0x0;
	s11 =	sshrl.u32 s11, $0x3;
	s7 =	smax.u32 s10, $0x1  }
0xe: {  	v0 =	vimm.f32 $0.0e+00;
	s10 =	simm.s32 $0x4100;
	s6 =	sadd.s32 s6, s11;
	s11 =	simm.s32 $0x1  }
.LBB2_1:
0xf: {  	s13 =	simm.s32 $0x0;
	s14 =	simm.s32 $0x200  }
.LBB2_2:
0x10: {  	p0 =	sne.s32 s14, $0x9E00;
	[tilespmem:s13+$0x4170] =	vst v0  }
0x11: {  	[tilespmem:s13+$0x4100] =	vst v0  }
0x12: {  	[tilespmem:s13+$0x4110] =	vst v0  }
.Ltmp0:
0x13: {  	[tilespmem:s13+$0x4120] =	vst v0;
	(pc) =	sbr.rel @p0 .LBB2_2-.Ltmp0, $4  }
0x14: {  	[tilespmem:s13+$0x4130] =	vst v0  }
0x15: {  	[tilespmem:s13+$0x4140] =	vst v0  }
0x16: {  	[tilespmem:s13+$0x4150] =	vst v0  }
0x17: {  	[tilespmem:s13+$0x4160] =	vst v0;
	s13 =	sshra.s32 s14, $0x2;
	s14 =	sadd.s32 $0x200, s14  }
0x18: {  	[tilespmem:s13+$0x4170] =	vst v0  }
0x19: {  	[tilespmem:s13+$0x4100] =	vst v0  }
0x1a: {  	[tilespmem:s13+$0x4110] =	vst v0  }
0x1b: {  	[tilespmem:s13+$0x4120] =	vst v0  }
0x1c: {  	[tilespmem:s13+$0x4130] =	vst v0  }
0x1d: {  	[tilespmem:s13+$0x4140] =	vst v0  }
0x1e: {  	[tilespmem:s13+$0x4150] =	vst v0  }
0x1f: {  	[tilespmem:s13+$0x4160] =	vst v0  }
0x20: {  	[spmem:s5] =	stream.linear.scatter [tilespmem:s10], [sflag:$0x1], $0x2800, $0x38;
	[tilespmem:$0x9100] =	vst v63  }
0x21: {  	_ =	swait.ge [sflag:s11], $0x2800  }
0x22: {  	s31 =	sadd.s32 $0x0, s4;
	[sflag:s11] =	ssyncset.done $0x0  }
0x23: {  	p0 =	sgt.u32 s31, $0x4E1;
	[sflag:s11] =	ssyncadd.s32 $0xFFFFD800  }
0x24: {  	s14 =	simm.s32 @!p0 $0x0;
	s13 =	simm.s32 @!p0 $0x2;
	[bflag:$0x0] =	sbarrier.arrive $0xFFFF  }
0x25: {  	[tilespmem:s14], [sflag:$0x2] =	stream.linear.gather @!p0 [hbm4b:s9+s14], $0x80, $0x38;
	[tilespmem:$0x9100] =	vst v63  }
0x26: {  	_ =	swait.ge @!p0 [sflag:s13], $0x80;
	p0 =	por p0, p0  }
0x27: {  	[sflag:s13] =	ssyncset.done @!p0 $0x0  }
0x28: {  	[sflag:s13] =	ssyncadd.s32 @!p0 $0xFFFFFF80  }
0x29: {  	v1 =	vld @!p0 [tilespmem:$0x70]  }
0x2a: {  	v2 =	vld @!p0 [tilespmem:$0x30]  }
0x2b: {  	v3 =	vld @!p0 [tilespmem:$0x50]  }
0x2c: {  	v5 =	vld @!p0 [tilespmem:$0x20]  }
0x2d: {  	v4 =	vld @!p0 [tilespmem:$0x60]  }
0x2e: {  	v6 =	vld @!p0 [tilespmem:$0x10];
	v1 =	vshrl.u32 @!p0 v1, $0x3  }
0x2f: {  	v7 =	vld @!p0 [tilespmem:$0x40];
	v2 =	vshrl.u32 @!p0 v2, $0x3;
	[tilespmem:$0xF0] =	vst @!p0 v1  }
0x30: {  	v1 =	vld @!p0 [tilespmem:$0x0];
	[tilespmem:$0xB0] =	vst @!p0 v2;
	v2 =	vshrl.u32 @!p0 v3, $0x3  }
0x31: {  	v3 =	vshrl.u32 @!p0 v5, $0x3;
	[tilespmem:$0xD0] =	vst @!p0 v2  }
0x32: {  	v2 =	vshrl.u32 @!p0 v4, $0x3;
	[tilespmem:$0xA0] =	vst @!p0 v3  }
0x33: {  	[tilespmem:$0xE0] =	vst @!p0 v2;
	v2 =	vshrl.u32 @!p0 v6, $0x3  }
0x34: {  	[tilespmem:$0x90] =	vst @!p0 v2;
	v2 =	vshrl.u32 @!p0 v7, $0x3  }
0x35: {  	s15 =	simm.s32 $0x20;
	s16 =	sadd.s32 $0x10000, s8;
	[tilespmem:$0xC0] =	vst @!p0 v2;
	v1 =	vshrl.u32 @!p0 v1, $0x3  }
0x36: {  	s17 =	sadd.s32 $0x200, s9;
	s18 =	smov.u32 s8;
	s19 =	simm.s32 @!p0 $0x100;
	[tilespmem:$0x80] =	vst @!p0 v1  }
.LBB2_4:
0x37: {  	[tilespmem:s19], [sflag:$0x2] =	stream.linear.gather @!p0 [hbm4b:s18+s14], $0x4000, $0x38;
	[tilespmem:$0x9100] =	vst v63  }
0x38: {  	s14 =	smov.u32 s15;
	s15 =	sadd.s32 $0x20, s15;
	_ =	swait.ge @!p0 [sflag:s13], $0x4000  }
0x39: {  	s18 =	smov.u32 s16;
	p1 =	sne.s32 s15, $0x500;
	[sflag:s13] =	ssyncset.done @!p0 $0x0  }
0x3a: {  	s20 =	simm.s32 @!p0 $0x1;
	[sflag:s13] =	ssyncadd.s32 @!p0 $0xFFFFC000;
	s13 =	simm.s32 @!p0 $0x80  }
0x3b: {  	[spmem:s2] =	stream.indirect.scatter.add.f32 @!p0 [tilespmem:s19], [sflag:$0x1], $0x80, s13, s13, $0xb8;
	[tilespmem:$0x9100] =	vst v63  }
0x3c: {  	s13 =	sadd.s32 s14, s4;
	_ =	swait.ge @!p0 [sflag:s20], $0x4000  }
0x3d: {  	p2 =	sgt.u32 s13, $0x4E1;
	[sflag:s20] =	ssyncset.done @!p0 $0x0  }
0x3e: {  	s14 =	simm.s32 @!p2 $0x0;
	s13 =	simm.s32 @!p2 $0x2;
	[sflag:s20] =	ssyncadd.s32 @!p0 $0xFFFFC000  }
0x3f: {  	[tilespmem:s14], [sflag:$0x2] =	stream.linear.gather @!p2 [hbm4b:s17+s14], $0x80, $0x38;
	[tilespmem:$0x9100] =	vst v63  }
0x40: {  	p0 =	por p2, p2;
	_ =	swait.ge @!p2 [sflag:s13], $0x80  }
0x41: {  	[sflag:s13] =	ssyncset.done @!p0 $0x0  }
0x42: {  	[sflag:s13] =	ssyncadd.s32 @!p0 $0xFFFFFF80  }
0x43: {  	v1 =	vld @!p0 [tilespmem:$0x70]  }
0x44: {  	v2 =	vld @!p0 [tilespmem:$0x30]  }
0x45: {  	v3 =	vld @!p0 [tilespmem:$0x50]  }
0x46: {  	v4 =	vld @!p0 [tilespmem:$0x60]  }
0x47: {  	v5 =	vld @!p0 [tilespmem:$0x20]  }
0x48: {  	v6 =	vld @!p0 [tilespmem:$0x10];
	v1 =	vshrl.u32 @!p0 v1, $0x3  }
0x49: {  	v2 =	vshrl.u32 @!p0 v2, $0x3;
	v7 =	vld @!p0 [tilespmem:$0x40];
	[tilespmem:$0xF0] =	vst @!p0 v1  }
0x4a: {  	v1 =	vld @!p0 [tilespmem:$0x0];
	[tilespmem:$0xB0] =	vst @!p0 v2;
	v2 =	vshrl.u32 @!p0 v3, $0x3  }
0x4b: {  	[tilespmem:$0xD0] =	vst @!p0 v2;
	v2 =	vshrl.u32 @!p0 v4, $0x3  }
.Ltmp1:
0x4c: {  	v3 =	vshrl.u32 @!p0 v5, $0x3;
	[tilespmem:$0xE0] =	vst @!p0 v2;
	(pc) =	sbr.rel @p1 .LBB2_4-.Ltmp1, $4  }
0x4d: {  	v2 =	vshrl.u32 @!p0 v6, $0x3;
	[tilespmem:$0xA0] =	vst @!p0 v3  }
0x4e: {  	[tilespmem:$0x90] =	vst @!p0 v2;
	v2 =	vshrl.u32 @!p0 v7, $0x3  }
0x4f: {  	v1 =	vshrl.u32 @!p0 v1, $0x3;
	[tilespmem:$0xC0] =	vst @!p0 v2  }
0x50: {  	s16 =	sadd.s32 $0x10000, s16;
	s19 =	simm.s32 @!p0 $0x100;
	s17 =	sadd.s32 $0x200, s17;
	[tilespmem:$0x80] =	vst @!p0 v1  }
0x51: {  	[tilespmem:s19], [sflag:$0x2] =	stream.linear.gather @!p0 [hbm4b:s18+s14], $0x4000, $0x38;
	[tilespmem:$0x9100] =	vst v63  }
0x52: {  	_ =	swait.ge @!p0 [sflag:s13], $0x4000  }
0x53: {  	[sflag:s13] =	ssyncset.done @!p0 $0x0  }
0x54: {  	s14 =	simm.s32 @!p0 $0x1;
	[sflag:s13] =	ssyncadd.s32 @!p0 $0xFFFFC000;
	s13 =	simm.s32 @!p0 $0x80  }
0x55: {  	[spmem:s2] =	stream.indirect.scatter.add.f32 @!p0 [tilespmem:s19], [sflag:$0x1], $0x80, s13, s13, $0xb8;
	[tilespmem:$0x9100] =	vst v63  }
0x56: {  	_ =	swait.ge @!p0 [sflag:s14], $0x4000  }
0x57: {  	[sflag:s14] =	ssyncset.done @!p0 $0x0  }
0x58: {  	[sflag:s14] =	ssyncadd.s32 @!p0 $0xFFFFC000  }
0x59: {  	[bflag:$0x0] =	sbarrier.arrive $0xFFFF  }
0x5a: {  	[tilespmem:s10], [sflag:$0x1] =	stream.linear.gather [spmem:s5], $0x2800, $0x38;
	[tilespmem:$0x9100] =	vst v63  }
0x5b: {  	s12 =	sadd.s32 $0x1, s12;
	_ =	swait.ge [sflag:s11], $0x2800  }
0x5c: {  	p0 =	sne.s32 s12, s7;
	[sflag:s11] =	ssyncset.done $0x0  }
.Ltmp2:
0x5d: {  	[sflag:s11] =	ssyncadd.s32 $0xFFFFD800;
	(pc) =	sbr.rel @p0 .LBB2_1-.Ltmp2, $4  }
0x5e: {  	[hbm4b:s6+s3] =	stream.linear.scatter [tilespmem:s10], [sflag:$0x1], $0x2800, $0x38;
	[tilespmem:$0x9100] =	vst v63  }
0x5f: {  	_ =	swait.ge [sflag:s11], $0x2800  }
0x60: {  	[sflag:s11] =	ssyncset.done $0x0  }
0x61: {  	[sflag:s11] =	ssyncadd.s32 $0xFFFFD800  }
0x62: {  	_ =	sfence.sel $0x180000  }
0x63: {  	[bflag:$0x0] =	sbarrier.arrive $0xFFFF  }
0x64: {  	p0 =	sne.s32 s1, $0x0;
	_ =	strace $0x9000004A  }
0x65: {  	s0 =	sadd.s32 @!p0 $0x100000, s0;
	[bflag:$0x2] =	sbarrier.arrive $0xFFFF  }
0x66: {  	[sflag:s0] =	ssyncadd.tile.s32 @!p0 $0x1;
	_ =	shalt  }
.Lfunc_end2:
_tile_overlayer_lowered:
.L_overlay_start_2:
0x67: {  	(tag) =	ssettag $0x2  }
0x68: {  	s0 =	rddreg [dreg:$0x0];
	s2 =	stileid.u32  }
0x69: {  	s1 =	rddreg [dreg:$0x1];
	p0 =	sne.s32 s2, $0x0  }
0x6a: {  	s3 =	rddreg [dreg:$0x2];
	[bflag:$0x3] =	sbarrier.arrive $0xFFFF;
	s2 =	simm.s32 @!p0 $0x1C01  }
0x6b: {  	[timem:s3], [sflag:s2] =	dma.local @!p0 [hbm:s0], s1  }
0x6c: {  	s0 =	simm.s32 @!p0 $0x1  }
0x6d: {  	_ =	swait.ge @!p0 [sflag:s0], s1  }
0x6e: {  	s1 =	ssub.s32 @!p0 $0x0, s1;
	[sflag:s0] =	ssyncset.done @!p0 $0x0  }
0x6f: {  	[sflag:s0] =	ssyncadd.s32 @!p0 s1  }
0x70: {  	[bflag:$0x3] =	sbarrier.arrive $0xFFFF  }
0x71: {  	_ =	shalt  }

// kernel: kernel.16.cloned.1.call-start
scs
__scs_entry_jumppad:
0x0: {  	(pc) =	sbr.rel $0x88, $3  }
0x1: {  	(tag) =	ssettag $0x0;
	lr =	simm.s32 $0x1  }
0x2: {  	[smem:$0x3F84] =	sst lr;
	_ =	strace $0xD0000000  }
0x3: {  	_ = 	snop  }
0x4: {  	_ = 	snop  }
0x5: {  	_ = 	snop  }
0x6: {  	_ = 	snop  }
0x7: {  	_ = 	snop  }
__scs_overlays_trampoline_lowered:
0x8: {  	[smem:$0x3F93] =	sst s0  }
0x9: {  	[smem:$0x3F94] =	sst s1  }
0xa: {  	[smem:$0x3F95] =	sst s2  }
0xb: {  	[smem:$0x3F96] =	sst s3  }
0xc: {  	[smem:$0x3F97] =	sst s4  }
0xd: {  	[smem:$0x3F98] =	sst s5  }
0xe: {  	[smem:$0x3F99] =	sst s6  }
0xf: {  	[smem:$0x3F9A] =	sst s7  }
0x10: {  	[smem:$0x3F9B] =	sst s8  }
0x11: {  	[smem:$0x3F9C] =	sst s9;
	s0 =	simm.s32 @!p0 $0x0  }
0x12: {  	s1 =	sld [smem:$0x3F82];
	s0 =	simm.s32 @p0 $0x1  }
0x13: {  	[smem:$0x3F9D] =	sst s0;
	s0 =	simm.s32 @!p1 $0x0  }
0x14: {  	s2 =	sld [smem:$0x3F81];
	s0 =	simm.s32 @p1 $0x1  }
0x15: {  	[smem:$0x3F9E] =	sst s0;
	s0 =	simm.s32 @!p2 $0x0  }
0x16: {  	s3 =	sld [smem:$0x3FDB];
	s0 =	simm.s32 @p2 $0x1  }
0x17: {  	s4 =	simm.s32 $0x1BF5;
	[smem:$0x3FA0] =	sst s0  }
0x18: {  	s0 =	sld [smem:$0x3F83];
	_ =	swait.ge [sflag:s4], $0x0  }
0x19: {  	s7 =	sld [smem:$0x3F84]  }
0x1a: {  	s8 =	sadd.s32 $0xFFFFE003, lr  }
0x1b: {  	s9 =	sadd.s32 $0xFFFFFEF7, lr;
	s5 =	simm.s32 $0xFFFFFFFF;
	p2 =	slt.u32 s8, $0xFFFFF086  }
0x1c: {  	p1 =	slt.u32 s9, $0xF7A;
	s5 =	simm.s32 @!p2 $0x0  }
0x1d: {  	s5 =	simm.s32 @p1 $0x1;
	p0 =	seq.s32 s7, s2  }
0x1e: {  	s7 =	smul.u32 @!p0 $0xF7A, s2;
	p2 =	seq.s32 @!p0 s5, $0x0  }
0x1f: {  	s9 =	smul.u32 $0xF7A, s1;
	s8 =	simm.s32 @!p0 $0x1BF5;
	p2 =	por !p2, p0  }
0x20: {  	[sflag:s8] =	ssyncset.s32 @!p0 $0xFFFFF086;
	s6 =	sadd.s32 @!p0 s3, s7;
	s7 =	simm.s32 @!p0 $0x108  }
0x21: {  	s3 =	sadd.s32 s3, s9;
	s6 =	sadd.s32 @!p0 $0x88, s6;
	s7 =	simm.s32 @p2 $0x1082  }
0x22: {  	[simem:s7], [sflag:s8] =	dma.local @!p0 [hbm:s6], $0xF7A  }
0x23: {  	s9 =	sor.u32 $0xD0000000, s2;
	s6 =	simm.s32 $0x108;
	_ =	swait.ge @!p0 [sflag:s8], $0x0  }
0x24: {  	s3 =	sadd.s32 $0x88, s3;
	s6 =	simm.s32 @!p1 $0x1082;
	[sflag:s4] =	ssyncset.s32 $0xFFFFF086  }
0x25: {  	[simem:s6], [sflag:s4] =	dma.local [hbm:s3], $0xF7A  }
0x26: {  	[smem:$0x3F84] =	sst s1;
	(tag) =	ssettag s2;
	_ =	strace s9  }
0x27: {  	s1 =	sld [smem:$0x3F94]  }
0x28: {  	s2 =	sld [smem:$0x3F95]  }
0x29: {  	s4 =	sld [smem:$0x3F97]  }
0x2a: {  	p0 =	seq.s32 s5, $0x0;
	s5 =	sld [smem:$0x3F98]  }
0x2b: {  	s6 =	sld [smem:$0x3F99]  }
0x2c: {  	s7 =	sld [smem:$0x3F9A]  }
0x2d: {  	s3 =	simm.s32 $0x108;
	s8 =	sld [smem:$0x3F9B]  }
0x2e: {  	s3 =	simm.s32 @!p0 $0x1082;
	s9 =	sld [smem:$0x3F9C]  }
0x2f: {  	lr =	sadd.s32 s0, s3;
	s0 =	sld [smem:$0x3F93]  }
0x30: {  	s3 =	sld [smem:$0x3F96]  }
0x31: {  	[smem:$0x3F9F] =	sst s10  }
0x32: {  	s10 =	sld [smem:$0x3F9D];
	_ =	sdelay $0x3  }
0x33: {  	p0 =	seq.s32 s10, $0x1;
	s10 =	sld [smem:$0x3F9F];
	_ =	sdelay $0x3  }
0x34: {  	[smem:$0x3F9F] =	sst s10  }
0x35: {  	s10 =	sld [smem:$0x3F9E];
	_ =	sdelay $0x3  }
0x36: {  	p1 =	seq.s32 s10, $0x1;
	s10 =	sld [smem:$0x3F9F];
	_ =	sdelay $0x3  }
0x37: {  	[smem:$0x3F9F] =	sst s10  }
0x38: {  	s10 =	sld [smem:$0x3FA0]  }
0x39: {  	_ = 	snop;
	(pc) =	sbr.ind lr, $3  }
0x3a: {  	_ = 	snop  }
0x3b: {  	_ = 	snop  }
0x3c: {  	p2 =	seq.s32 s10, $0x1;
	s10 =	sld [smem:$0x3F9F]  }
0x3d: {  	_ =	shalt  }
0x3e: {  	_ =	shalt  }
0x3f: {  	_ =	shalt  }
0x40: {  	_ =	shalt  }
0x41: {  	_ =	shalt  }
0x42: {  	_ =	shalt  }
0x43: {  	_ =	shalt  }
0x44: {  	_ =	shalt  }
0x45: {  	_ =	shalt  }
0x46: {  	_ =	shalt  }
0x47: {  	_ =	shalt  }
0x48: {  	_ =	shalt  }
0x49: {  	_ =	shalt  }
0x4a: {  	_ =	shalt  }
0x4b: {  	_ =	shalt  }
0x4c: {  	_ =	shalt  }
0x4d: {  	_ =	shalt  }
0x4e: {  	_ =	shalt  }
0x4f: {  	_ =	shalt  }
0x50: {  	_ =	shalt  }
0x51: {  	_ =	shalt  }
0x52: {  	_ =	shalt  }
0x53: {  	_ =	shalt  }
0x54: {  	_ =	shalt  }
0x55: {  	_ =	shalt  }
0x56: {  	_ =	shalt  }
0x57: {  	_ =	shalt  }
0x58: {  	_ =	shalt  }
0x59: {  	_ =	shalt  }
0x5a: {  	_ =	shalt  }
0x5b: {  	_ =	shalt  }
0x5c: {  	_ =	shalt  }
0x5d: {  	_ =	shalt  }
0x5e: {  	_ =	shalt  }
0x5f: {  	_ =	shalt  }
0x60: {  	_ =	shalt  }
0x61: {  	_ =	shalt  }
0x62: {  	_ =	shalt  }
0x63: {  	_ =	shalt  }
0x64: {  	_ =	shalt  }
0x65: {  	_ =	shalt  }
0x66: {  	_ =	shalt  }
0x67: {  	_ =	shalt  }
0x68: {  	_ =	shalt  }
0x69: {  	_ =	shalt  }
0x6a: {  	_ =	shalt  }
0x6b: {  	_ =	shalt  }
0x6c: {  	_ =	shalt  }
0x6d: {  	_ =	shalt  }
0x6e: {  	_ =	shalt  }
0x6f: {  	_ =	shalt  }
0x70: {  	_ =	shalt  }
0x71: {  	_ =	shalt  }
0x72: {  	_ =	shalt  }
0x73: {  	_ =	shalt  }
0x74: {  	_ =	shalt  }
0x75: {  	_ =	shalt  }
0x76: {  	_ =	shalt  }
0x77: {  	_ =	shalt  }
0x78: {  	_ =	shalt  }
0x79: {  	_ =	shalt  }
0x7a: {  	_ =	shalt  }
0x7b: {  	_ =	shalt  }
0x7c: {  	_ =	shalt  }
0x7d: {  	_ =	shalt  }
0x7e: {  	_ =	shalt  }
0x7f: {  	_ =	shalt  }
0x80: {  	_ =	shalt  }
0x81: {  	_ =	shalt  }
0x82: {  	_ =	shalt  }
0x83: {  	_ =	shalt  }
0x84: {  	_ =	shalt  }
0x85: {  	_ =	shalt  }
0x86: {  	_ =	shalt  }
0x87: {  	_ =	shalt  }
.Lfunc_end0:
.L_simem_size_0:
called_computation.2_lowered:
.L_overlay_start_0:
0x88: {  	s2 =	sld [smem:$0x3FD9]  }
0x89: {  	s3 =	sld [smem:$0x3FFE];
	_ =	sdelay $0x1  }
0x8a: {  	s1 =	srdreg.scid  }
0x8b: {  	s0 =	sand.u32 $0x1, s1  }
0x8c: {  	s16 =	sshll.u32 s0, $0xA;
	s2 =	sadd.s32 s3, s2  }
0x8d: {  	s2 =	sadd.s32 s2, s16  }
0x8e: {  	[smem:$0x3FAB] =	sst s2  }
0x8f: {  	_ = 	snop  }
0x90: {  	(tm) =	ssettm $0x1  }
0x91: {  	s17 =	sld [smem:$0x3FFB];
	_ =	sdelay $0x3  }
0x92: {  	_ =	strace s17  }
0x93: {  	s2 =	sld [smem:$0x3FFC];
	_ =	sdelay $0x3  }
0x94: {  	_ =	strace s2  }
0x95: {  	s2 =	sld [smem:$0x3FFD];
	_ =	sdelay $0x3  }
0x96: {  	_ =	strace s2  }
0x97: {  	_ =	strace $0x8FFFFFFF  }
0x98: {  	s18 =	sld [smem:$0x3FDB];
	_ =	sdelay $0x1  }
0x99: {  	s19 =	simm.s32 $_scs_section_size  }
0x9a: {  	s4 =	simm.s32 $_size__tile_overlayer_lowered;
	s5 =	simm.s32 $_tile_overlayer_lowered  }
0x9b: {  	s22 =	simm.s32 $0x1BFF;
	s21 =	sshll.u32 s5, $0x1;
	s2 =	sadd.s32 s19, s18  }
0x9c: {  	s6 =	simm.s32 $0x0;
	s20 =	sshll.u32 s4, $0x1;
	s4 =	sadd.s32 s21, s2  }
0x9d: {  	[timem:s6], [sflag:s22] =	dma.local [hbm:s4], s20  }
0x9e: {  	_ =	swait.ge [sflag:s22], s20  }
0x9f: {  	s3 =	ssub.s32 $0x0, s20;
	[sflag:s22] =	ssyncset.done $0x0  }
0xa0: {  	[sflag:s22] =	ssyncadd.s32 s3;
	_ =	sdelay $0x1  }
0xa1: {  	s23 =	simm.s32 $0x1B8B  }
0xa2: {  	_ =	swait.ge [sflag:s23], $0x1  }
0xa3: {  	[sflag:s23] =	ssyncset.done $0x0  }
0xa4: {  	s25 =	simm.s32 $0x1B8E;
	s24 =	sld [smem:$0x3FFE];
	[sflag:s23] =	ssyncadd.s32 $0xFFFFFFFF  }
0xa5: {  	s26 =	simm.s32 $execute0_lowered;
	[smem:$0x3FD2] =	sst s25  }
0xa6: {  	s4 =	sshll.u32 s26, $0x1;
	_ =	strace $0x8000004C;
	[dreg:$0x1] =	wrdreg $0xFFFFFFFF  }
0xa7: {  	s28 =	simm.s32 $_size_execute0_lowered;
	s2 =	sadd.s32 s2, s4;
	[dreg:$0x0] =	wrdreg $0x0  }
0xa8: {  	s4 =	sshll.u32 s28, $0x1;
	[dreg:$0x2] =	wrdreg s2  }
0xa9: {  	[dreg:$0x3] =	wrdreg s4  }
0xaa: {  	[dreg:$0x4] =	wrdreg $0xC0  }
0xab: {  	_ =	task [dreg:s6], $0x5FFFF  }
0xac: {  	[dreg:$0x1] =	wrdreg $0xFFFFFFFF  }
0xad: {  	[dreg:$0x0] =	wrdreg $0x60  }
0xae: {  	[dreg:$0x2] =	wrdreg s24  }
0xaf: {  	[dreg:$0x3] =	wrdreg $0x9  }
0xb0: {  	_ =	task.clear_ibuf [dreg:s6], $0x4FFFF;
	_ =	strace $0x9000004C  }
0xb1: {  	s29 =	simm.s32 $0x9;
	_ =	strace $0x8000004E  }
0xb2: {  	_ =	swait.ge [sflag:s29], $0x1  }
0xb3: {  	[sflag:s29] =	ssyncadd.s32 $0xFFFFFFFF  }
0xb4: {  	_ =	strace $0x9000004E  }
0xb5: {  	_ =	sfence  }
0xb6: {  	s30 =	sld [smem:$0x0];
	_ =	sdelay $0x2  }
0xb7: {  	s31 =	sshll.u32 s1, $0xD;
	s1 =	sshrl.u32 s1, $0x2  }
0xb8: {  	s3 =	sand.u32 $0x4000, s31;
	s1 =	sadd.s32 s1, s30  }
0xb9: {  	s0 =	sor.u32 s3, s0;
	s1 =	sshll.u32 s1, $0x11  }
0xba: {  	s0 =	sor.u32 s1, s0  }
0xbb: {  	s0 =	sadd.s32 $0x8F2B, s0  }
0xbc: {  	[sflag:s0] =	ssyncadd.remote.s32 $0x1  }
0xbd: {  	_ =	sfence.sel $0xFFFF  }
0xbe: {  	[dreg:$0x0] =	wrdreg $0xFFFFFFFF;
	(pc) =	sbr.abs _section_cstart, $3  }
0xbf: {  	[dreg:$0x1] =	wrdreg $0xFFFFFFFF  }
0xc0: {  	_ =	task.clear_ibuf [dreg:s6], $0x2FFFF;
	_ =	strace $0x9FFFFFFF  }
0xc1: {  	(tm) =	ssettm $0x7FFFFFFF  }
tec
execute0_lowered:
.L_overlay_start_1:
0x0: {  	(tag) =	ssettag $0x1  }
0x1: {  	s4 =	rddreg [dreg:$0x0]  }
0x2: {  	s0 =	rddreg [dreg:$0x1];
	s1 =	simm.s32 $0x0;
	s5 =	srdreg.scid  }
0x3: {  	s2 =	stileid.u32;
	[smem:$0x7FF] =	sst s1  }
0x4: {  	s3 =	sadd.s32 $0x10200, s4;
	s5 =	sand.u32 $0x1, s5;
	s6 =	sshll.u32 s2, $0x5  }
0x5: {  	s7 =	sshll.u32 s2, $0xC;
	_ =	strace $0x8000004D;
	s8 =	ssub.s32 $0x2, s5  }
0x6: {  	s6 =	sadd.s32 s6, s4;
	s7 =	sadd.s32 s7, s4;
	s9 =	sshll.u32 s5, $0xB  }
0x7: {  	s5 =	sshll.u32 s5, $0x4;
	s4 =	sshll.u32 s2, $0x1;
	s30 =	sshrl.u32 s8, $0x1  }
0x8: {  	s7 =	sadd.s32 s9, s7;
	s31 =	sadd.s32 s5, s6;
	s8 =	ssub.s32 s8, s30  }
0x9: {  	s6 =	sadd.s32 $0x763400, s7;
	s7 =	sadd.s32 $0x6200, s31;
	s5 =	smax.u32 s8, $0x1  }
.LBB2_1:
0xa: {  	s8 =	sadd.s32 $0x0, s4  }
0xb: {  	p0 =	sgt.u32 s8, $0x4E1  }
0xc: {  	s8 =	simm.s32 @!p0 $0x0;
	s9 =	simm.s32 @!p0 $0x3  }
0xd: {  	[tilespmem:s8], [sflag:$0x3] =	stream.linear.gather @!p0 [hbm4b:s7+s8], $0x80, $0x38;
	[tilespmem:$0x4080] =	vst v63  }
0xe: {  	_ =	swait.ge @!p0 [sflag:s9], $0x80  }
0xf: {  	[sflag:s9] =	ssyncset.done @!p0 $0x0;
	p0 =	por p0, p0  }
0x10: {  	[sflag:s9] =	ssyncadd.s32 @!p0 $0xFFFFFF80;
	s10 =	simm.s32 @!p0 $0x80;
	s11 =	simm.s32 @!p0 $0x1  }
0x11: {  	[tilespmem:s10], [sflag:$0x1] =	stream.indirect.gather @!p0 [hbm4b:s3+s10], $0x80, s8, s10, $0xb8;
	[tilespmem:$0x4080] =	vst v63  }
0x12: {  	_ =	swait.ge @!p0 [sflag:s11], $0x4000  }
0x13: {  	[sflag:s11] =	ssyncset.done @!p0 $0x0  }
0x14: {  	s31 =	sadd.s32 $0x20, s4;
	[sflag:s11] =	ssyncadd.s32 @!p0 $0xFFFFC000;
	s11 =	simm.s32 @!p0 $0x2  }
0x15: {  	[hbm4b:s6+s8] =	stream.linear.scatter @!p0 [tilespmem:s10], [sflag:$0x2], $0x4000, $0x38;
	[tilespmem:$0x4080] =	vst v63  }
0x16: {  	p1 =	sgt.u32 s31, $0x4E1;
	s9 =	simm.s32 $0x40;
	_ =	swait.ge @!p0 [sflag:s11], $0x4000  }
0x17: {  	s10 =	sadd.s32 $0x200, s7;
	s8 =	sadd.s32 $0x10000, s6;
	[sflag:s11] =	ssyncset.done @!p0 $0x0  }
.LBB2_2:
0x18: {  	s12 =	simm.s32 @!p1 $0x0;
	s13 =	simm.s32 @!p1 $0x3;
	[sflag:s11] =	ssyncadd.s32 @!p0 $0xFFFFC000  }
0x19: {  	[tilespmem:s12], [sflag:$0x3] =	stream.linear.gather @!p1 [hbm4b:s10+s12], $0x80, $0x38;
	[tilespmem:$0x4080] =	vst v63  }
0x1a: {  	s14 =	smov.u32 s9;
	s9 =	sadd.s32 $0x20, s9;
	_ =	swait.ge @!p1 [sflag:s13], $0x80  }
0x1b: {  	p0 =	por p1, p1;
	p2 =	sne.s32 s9, $0x500;
	[sflag:s13] =	ssyncset.done @!p1 $0x0  }
0x1c: {  	s11 =	simm.s32 @!p0 $0x1;
	[sflag:s13] =	ssyncadd.s32 @!p0 $0xFFFFFF80;
	s13 =	simm.s32 @!p0 $0x80  }
0x1d: {  	[tilespmem:s13], [sflag:$0x1] =	stream.indirect.gather @!p0 [hbm4b:s3+s13], $0x80, s12, s13, $0xb8;
	[tilespmem:$0x4080] =	vst v63  }
0x1e: {  	_ =	swait.ge @!p0 [sflag:s11], $0x4000  }
.Ltmp0:
0x1f: {  	[sflag:s11] =	ssyncset.done @!p0 $0x0;
	(pc) =	sbr.rel @p2 .LBB2_2-.Ltmp0, $4  }
0x20: {  	[sflag:s11] =	ssyncadd.s32 @!p0 $0xFFFFC000;
	s11 =	simm.s32 @!p0 $0x2  }
0x21: {  	[hbm4b:s8+s12] =	stream.linear.scatter @!p0 [tilespmem:s13], [sflag:$0x2], $0x4000, $0x38;
	[tilespmem:$0x4080] =	vst v63  }
0x22: {  	s10 =	sadd.s32 $0x200, s10;
	s12 =	sadd.s32 s14, s4;
	_ =	swait.ge @!p0 [sflag:s11], $0x4000  }
0x23: {  	s8 =	sadd.s32 $0x10000, s8;
	p1 =	sgt.u32 s12, $0x4E1;
	[sflag:s11] =	ssyncset.done @!p0 $0x0  }
0x24: {  	s9 =	simm.s32 @!p1 $0x0;
	s12 =	simm.s32 @!p1 $0x3;
	[sflag:s11] =	ssyncadd.s32 @!p0 $0xFFFFC000  }
0x25: {  	[tilespmem:s9], [sflag:$0x3] =	stream.linear.gather @!p1 [hbm4b:s10+s9], $0x80, $0x38;
	[tilespmem:$0x4080] =	vst v63  }
0x26: {  	_ =	swait.ge @!p1 [sflag:s12], $0x80  }
0x27: {  	p0 =	por p1, p1;
	[sflag:s12] =	ssyncset.done @!p1 $0x0  }
0x28: {  	s10 =	simm.s32 @!p0 $0x80;
	s11 =	simm.s32 @!p0 $0x1;
	[sflag:s12] =	ssyncadd.s32 @!p0 $0xFFFFFF80  }
0x29: {  	[tilespmem:s10], [sflag:$0x1] =	stream.indirect.gather @!p0 [hbm4b:s3+s10], $0x80, s9, s10, $0xb8;
	[tilespmem:$0x4080] =	vst v63  }
0x2a: {  	s1 =	sadd.s32 $0x1, s1;
	_ =	swait.ge @!p0 [sflag:s11], $0x4000  }
0x2b: {  	p1 =	sne.s32 s1, s5;
	[sflag:s11] =	ssyncset.done @!p0 $0x0  }
.Ltmp1:
0x2c: {  	[sflag:s11] =	ssyncadd.s32 @!p0 $0xFFFFC000;
	s11 =	simm.s32 @!p0 $0x2;
	(pc) =	sbr.rel @p1 .LBB2_1-.Ltmp1, $4  }
0x2d: {  	[hbm4b:s8+s9] =	stream.linear.scatter @!p0 [tilespmem:s10], [sflag:$0x2], $0x4000, $0x38;
	[tilespmem:$0x4080] =	vst v63  }
0x2e: {  	_ =	swait.ge @!p0 [sflag:s11], $0x4000  }
0x2f: {  	[sflag:s11] =	ssyncset.done @!p0 $0x0  }
0x30: {  	[sflag:s11] =	ssyncadd.s32 @!p0 $0xFFFFC000  }
0x31: {  	_ =	sfence.sel $0x180000  }
0x32: {  	[bflag:$0x0] =	sbarrier.arrive $0xFFFF  }
0x33: {  	p0 =	sne.s32 s2, $0x0;
	_ =	strace $0x9000004D  }
0x34: {  	s0 =	sadd.s32 @!p0 $0x100000, s0;
	[bflag:$0x2] =	sbarrier.arrive $0xFFFF  }
0x35: {  	[sflag:s0] =	ssyncadd.tile.s32 @!p0 $0x1;
	_ =	shalt  }
.Lfunc_end2:
_tile_overlayer_lowered:
.L_overlay_start_2:
0x36: {  	(tag) =	ssettag $0x2  }
0x37: {  	s0 =	rddreg [dreg:$0x0];
	s2 =	stileid.u32  }
0x38: {  	s1 =	rddreg [dreg:$0x1];
	p0 =	sne.s32 s2, $0x0  }
0x39: {  	s3 =	rddreg [dreg:$0x2];
	[bflag:$0x3] =	sbarrier.arrive $0xFFFF;
	s2 =	simm.s32 @!p0 $0x1C02  }
0x3a: {  	[timem:s3], [sflag:s2] =	dma.local @!p0 [hbm:s0], s1  }
0x3b: {  	s0 =	simm.s32 @!p0 $0x2  }
0x3c: {  	_ =	swait.ge @!p0 [sflag:s0], s1  }
0x3d: {  	s1 =	ssub.s32 @!p0 $0x0, s1;
	[sflag:s0] =	ssyncset.done @!p0 $0x0  }
0x3e: {  	[sflag:s0] =	ssyncadd.s32 @!p0 s1  }
0x3f: {  	[bflag:$0x3] =	sbarrier.arrive $0xFFFF  }
0x40: {  	_ =	shalt  }

// kernel: kernel.19.cloned.1.call-start
scs
__scs_entry_jumppad:
0x0: {  	(pc) =	sbr.rel $0x88, $3  }
0x1: {  	(tag) =	ssettag $0x0;
	lr =	simm.s32 $0x1  }
0x2: {  	[smem:$0x3F84] =	sst lr;
	_ =	strace $0xD0000000  }
0x3: {  	_ = 	snop  }
0x4: {  	_ = 	snop  }
0x5: {  	_ = 	snop  }
0x6: {  	_ = 	snop  }
0x7: {  	_ = 	snop  }
__scs_overlays_trampoline_lowered:
0x8: {  	[smem:$0x3F93] =	sst s0  }
0x9: {  	[smem:$0x3F94] =	sst s1  }
0xa: {  	[smem:$0x3F95] =	sst s2  }
0xb: {  	[smem:$0x3F96] =	sst s3  }
0xc: {  	[smem:$0x3F97] =	sst s4  }
0xd: {  	[smem:$0x3F98] =	sst s5  }
0xe: {  	[smem:$0x3F99] =	sst s6  }
0xf: {  	[smem:$0x3F9A] =	sst s7  }
0x10: {  	[smem:$0x3F9B] =	sst s8  }
0x11: {  	[smem:$0x3F9C] =	sst s9;
	s0 =	simm.s32 @!p0 $0x0  }
0x12: {  	s1 =	sld [smem:$0x3F82];
	s0 =	simm.s32 @p0 $0x1  }
0x13: {  	[smem:$0x3F9D] =	sst s0;
	s0 =	simm.s32 @!p1 $0x0  }
0x14: {  	s2 =	sld [smem:$0x3F81];
	s0 =	simm.s32 @p1 $0x1  }
0x15: {  	[smem:$0x3F9E] =	sst s0;
	s0 =	simm.s32 @!p2 $0x0  }
0x16: {  	s3 =	sld [smem:$0x3FDB];
	s0 =	simm.s32 @p2 $0x1  }
0x17: {  	s4 =	simm.s32 $0x1BF5;
	[smem:$0x3FA0] =	sst s0  }
0x18: {  	s0 =	sld [smem:$0x3F83];
	_ =	swait.ge [sflag:s4], $0x0  }
0x19: {  	s7 =	sld [smem:$0x3F84]  }
0x1a: {  	s8 =	sadd.s32 $0xFFFFE003, lr  }
0x1b: {  	s9 =	sadd.s32 $0xFFFFFEF7, lr;
	s5 =	simm.s32 $0xFFFFFFFF;
	p2 =	slt.u32 s8, $0xFFFFF086  }
0x1c: {  	p1 =	slt.u32 s9, $0xF7A;
	s5 =	simm.s32 @!p2 $0x0  }
0x1d: {  	s5 =	simm.s32 @p1 $0x1;
	p0 =	seq.s32 s7, s2  }
0x1e: {  	s7 =	smul.u32 @!p0 $0xF7A, s2;
	p2 =	seq.s32 @!p0 s5, $0x0  }
0x1f: {  	s9 =	smul.u32 $0xF7A, s1;
	s8 =	simm.s32 @!p0 $0x1BF5;
	p2 =	por !p2, p0  }
0x20: {  	[sflag:s8] =	ssyncset.s32 @!p0 $0xFFFFF086;
	s6 =	sadd.s32 @!p0 s3, s7;
	s7 =	simm.s32 @!p0 $0x108  }
0x21: {  	s3 =	sadd.s32 s3, s9;
	s6 =	sadd.s32 @!p0 $0x88, s6;
	s7 =	simm.s32 @p2 $0x1082  }
0x22: {  	[simem:s7], [sflag:s8] =	dma.local @!p0 [hbm:s6], $0xF7A  }
0x23: {  	s9 =	sor.u32 $0xD0000000, s2;
	s6 =	simm.s32 $0x108;
	_ =	swait.ge @!p0 [sflag:s8], $0x0  }
0x24: {  	s3 =	sadd.s32 $0x88, s3;
	s6 =	simm.s32 @!p1 $0x1082;
	[sflag:s4] =	ssyncset.s32 $0xFFFFF086  }
0x25: {  	[simem:s6], [sflag:s4] =	dma.local [hbm:s3], $0xF7A  }
0x26: {  	[smem:$0x3F84] =	sst s1;
	(tag) =	ssettag s2;
	_ =	strace s9  }
0x27: {  	s1 =	sld [smem:$0x3F94]  }
0x28: {  	s2 =	sld [smem:$0x3F95]  }
0x29: {  	s4 =	sld [smem:$0x3F97]  }
0x2a: {  	p0 =	seq.s32 s5, $0x0;
	s5 =	sld [smem:$0x3F98]  }
0x2b: {  	s6 =	sld [smem:$0x3F99]  }
0x2c: {  	s7 =	sld [smem:$0x3F9A]  }
0x2d: {  	s3 =	simm.s32 $0x108;
	s8 =	sld [smem:$0x3F9B]  }
0x2e: {  	s3 =	simm.s32 @!p0 $0x1082;
	s9 =	sld [smem:$0x3F9C]  }
0x2f: {  	lr =	sadd.s32 s0, s3;
	s0 =	sld [smem:$0x3F93]  }
0x30: {  	s3 =	sld [smem:$0x3F96]  }
0x31: {  	[smem:$0x3F9F] =	sst s10  }
0x32: {  	s10 =	sld [smem:$0x3F9D];
	_ =	sdelay $0x3  }
0x33: {  	p0 =	seq.s32 s10, $0x1;
	s10 =	sld [smem:$0x3F9F];
	_ =	sdelay $0x3  }
0x34: {  	[smem:$0x3F9F] =	sst s10  }
0x35: {  	s10 =	sld [smem:$0x3F9E];
	_ =	sdelay $0x3  }
0x36: {  	p1 =	seq.s32 s10, $0x1;
	s10 =	sld [smem:$0x3F9F];
	_ =	sdelay $0x3  }
0x37: {  	[smem:$0x3F9F] =	sst s10  }
0x38: {  	s10 =	sld [smem:$0x3FA0]  }
0x39: {  	_ = 	snop;
	(pc) =	sbr.ind lr, $3  }
0x3a: {  	_ = 	snop  }
0x3b: {  	_ = 	snop  }
0x3c: {  	p2 =	seq.s32 s10, $0x1;
	s10 =	sld [smem:$0x3F9F]  }
0x3d: {  	_ =	shalt  }
0x3e: {  	_ =	shalt  }
0x3f: {  	_ =	shalt  }
0x40: {  	_ =	shalt  }
0x41: {  	_ =	shalt  }
0x42: {  	_ =	shalt  }
0x43: {  	_ =	shalt  }
0x44: {  	_ =	shalt  }
0x45: {  	_ =	shalt  }
0x46: {  	_ =	shalt  }
0x47: {  	_ =	shalt  }
0x48: {  	_ =	shalt  }
0x49: {  	_ =	shalt  }
0x4a: {  	_ =	shalt  }
0x4b: {  	_ =	shalt  }
0x4c: {  	_ =	shalt  }
0x4d: {  	_ =	shalt  }
0x4e: {  	_ =	shalt  }
0x4f: {  	_ =	shalt  }
0x50: {  	_ =	shalt  }
0x51: {  	_ =	shalt  }
0x52: {  	_ =	shalt  }
0x53: {  	_ =	shalt  }
0x54: {  	_ =	shalt  }
0x55: {  	_ =	shalt  }
0x56: {  	_ =	shalt  }
0x57: {  	_ =	shalt  }
0x58: {  	_ =	shalt  }
0x59: {  	_ =	shalt  }
0x5a: {  	_ =	shalt  }
0x5b: {  	_ =	shalt  }
0x5c: {  	_ =	shalt  }
0x5d: {  	_ =	shalt  }
0x5e: {  	_ =	shalt  }
0x5f: {  	_ =	shalt  }
0x60: {  	_ =	shalt  }
0x61: {  	_ =	shalt  }
0x62: {  	_ =	shalt  }
0x63: {  	_ =	shalt  }
0x64: {  	_ =	shalt  }
0x65: {  	_ =	shalt  }
0x66: {  	_ =	shalt  }
0x67: {  	_ =	shalt  }
0x68: {  	_ =	shalt  }
0x69: {  	_ =	shalt  }
0x6a: {  	_ =	shalt  }
0x6b: {  	_ =	shalt  }
0x6c: {  	_ =	shalt  }
0x6d: {  	_ =	shalt  }
0x6e: {  	_ =	shalt  }
0x6f: {  	_ =	shalt  }
0x70: {  	_ =	shalt  }
0x71: {  	_ =	shalt  }
0x72: {  	_ =	shalt  }
0x73: {  	_ =	shalt  }
0x74: {  	_ =	shalt  }
0x75: {  	_ =	shalt  }
0x76: {  	_ =	shalt  }
0x77: {  	_ =	shalt  }
0x78: {  	_ =	shalt  }
0x79: {  	_ =	shalt  }
0x7a: {  	_ =	shalt  }
0x7b: {  	_ =	shalt  }
0x7c: {  	_ =	shalt  }
0x7d: {  	_ =	shalt  }
0x7e: {  	_ =	shalt  }
0x7f: {  	_ =	shalt  }
0x80: {  	_ =	shalt  }
0x81: {  	_ =	shalt  }
0x82: {  	_ =	shalt  }
0x83: {  	_ =	shalt  }
0x84: {  	_ =	shalt  }
0x85: {  	_ =	shalt  }
0x86: {  	_ =	shalt  }
0x87: {  	_ =	shalt  }
.Lfunc_end0:
.L_simem_size_0:
called_computation.3_lowered:
.L_overlay_start_0:
0x88: {  	s2 =	sld [smem:$0x3FD9]  }
0x89: {  	s3 =	sld [smem:$0x3FFE];
	_ =	sdelay $0x1  }
0x8a: {  	s1 =	srdreg.scid  }
0x8b: {  	s0 =	sand.u32 $0x1, s1  }
0x8c: {  	s17 =	sshll.u32 s0, $0xA;
	s2 =	sadd.s32 s3, s2  }
0x8d: {  	s2 =	sadd.s32 s2, s17  }
0x8e: {  	[smem:$0x3FAB] =	sst s2  }
0x8f: {  	_ = 	snop  }
0x90: {  	s2 =	sld [smem:$0x3FD0];
	(tm) =	ssettm $0x1  }
0x91: {  	s18 =	sld [smem:$0x3FFB];
	_ =	sdelay $0x3  }
0x92: {  	_ =	strace s18  }
0x93: {  	s3 =	sld [smem:$0x3FFC];
	_ =	sdelay $0x3  }
0x94: {  	_ =	strace s3  }
0x95: {  	s3 =	sld [smem:$0x3FFD];
	_ =	sdelay $0x3  }
0x96: {  	_ =	strace s3  }
0x97: {  	_ =	strace $0x8FFFFFFF  }
0x98: {  	s19 =	sld [smem:$0x3FDB];
	_ =	sdelay $0x1  }
0x99: {  	s4 =	simm.s32 $_scs_section_size  }
0x9a: {  	s5 =	simm.s32 $_size__tile_overlayer_lowered;
	s6 =	simm.s32 $_tile_overlayer_lowered  }
0x9b: {  	s22 =	simm.s32 $0x1BFF;
	s21 =	sshll.u32 s6, $0x1;
	s3 =	sadd.s32 s4, s19  }
0x9c: {  	s7 =	simm.s32 $0x0;
	s20 =	sshll.u32 s5, $0x1;
	s5 =	sadd.s32 s21, s3  }
0x9d: {  	[timem:s7], [sflag:s22] =	dma.local [hbm:s5], s20  }
0x9e: {  	_ =	swait.ge [sflag:s22], s20  }
0x9f: {  	s4 =	ssub.s32 $0x0, s20;
	[sflag:s22] =	ssyncset.done $0x0  }
0xa0: {  	[sflag:s22] =	ssyncadd.s32 s4;
	_ =	sdelay $0x1  }
0xa1: {  	s23 =	simm.s32 $0x1B8B  }
0xa2: {  	_ =	swait.ge [sflag:s23], $0x1  }
0xa3: {  	[sflag:s23] =	ssyncset.done $0x0  }
0xa4: {  	s25 =	simm.s32 $0x1B8E;
	s24 =	sld [smem:$0x3FFE];
	[sflag:s23] =	ssyncadd.s32 $0xFFFFFFFF  }
0xa5: {  	s26 =	simm.s32 $execute0_lowered;
	[smem:$0x3FD2] =	sst s25  }
0xa6: {  	s5 =	sshll.u32 s26, $0x1;
	_ =	strace $0x8000004F;
	[dreg:$0x1] =	wrdreg $0xFFFFFFFF  }
0xa7: {  	s28 =	simm.s32 $_size_execute0_lowered;
	s3 =	sadd.s32 s3, s5;
	[dreg:$0x0] =	wrdreg $0x0  }
0xa8: {  	s5 =	sshll.u32 s28, $0x1;
	[dreg:$0x2] =	wrdreg s3  }
0xa9: {  	[dreg:$0x3] =	wrdreg s5  }
0xaa: {  	[dreg:$0x4] =	wrdreg $0xC0  }
0xab: {  	_ =	task [dreg:s7], $0x5FFFF  }
0xac: {  	[dreg:$0x1] =	wrdreg $0xFFFFFFFF  }
0xad: {  	[dreg:$0x0] =	wrdreg $0x60  }
0xae: {  	[dreg:$0x2] =	wrdreg s24  }
0xaf: {  	[dreg:$0x3] =	wrdreg s2  }
0xb0: {  	[dreg:$0x4] =	wrdreg $0x69000  }
0xb1: {  	[dreg:$0x5] =	wrdreg $0x9  }
0xb2: {  	_ =	task.clear_ibuf [dreg:s7], $0x6FFFF;
	_ =	strace $0x9000004F  }
0xb3: {  	s29 =	simm.s32 $0x9;
	_ =	strace $0x80000051  }
0xb4: {  	_ =	swait.ge [sflag:s29], $0x1  }
0xb5: {  	[sflag:s29] =	ssyncadd.s32 $0xFFFFFFFF  }
0xb6: {  	_ =	strace $0x90000051  }
0xb7: {  	_ =	sfence  }
0xb8: {  	s30 =	sld [smem:$0x0];
	_ =	sdelay $0x2  }
0xb9: {  	s31 =	sshll.u32 s1, $0xD;
	s1 =	sshrl.u32 s1, $0x2  }
0xba: {  	s3 =	sand.u32 $0x4000, s31;
	s1 =	sadd.s32 s1, s30  }
0xbb: {  	s0 =	sor.u32 s3, s0;
	s1 =	sshll.u32 s1, $0x11  }
0xbc: {  	s0 =	sor.u32 s1, s0  }
0xbd: {  	s0 =	sadd.s32 $0x8F2B, s0  }
0xbe: {  	[sflag:s0] =	ssyncadd.remote.s32 $0x1  }
0xbf: {  	_ =	sfence.sel $0xFFFF  }
0xc0: {  	[dreg:$0x0] =	wrdreg $0xFFFFFFFF;
	(pc) =	sbr.abs _section_cstart, $3  }
0xc1: {  	[dreg:$0x1] =	wrdreg $0xFFFFFFFF  }
0xc2: {  	_ =	task.clear_ibuf [dreg:s7], $0x2FFFF;
	_ =	strace $0x9FFFFFFF  }
0xc3: {  	(tm) =	ssettm $0x7FFFFFFF  }
tec
execute0_lowered:
.L_overlay_start_1:
0x0: {  	(tag) =	ssettag $0x1  }
0x1: {  	s4 =	rddreg [dreg:$0x0]  }
0x2: {  	s6 =	rddreg [dreg:$0x1]  }
0x3: {  	s2 =	rddreg [dreg:$0x2]  }
0x4: {  	s0 =	rddreg [dreg:$0x3];
	s3 =	simm.s32 $0x0;
	s1 =	stileid.u32  }
0x5: {  	s7 =	srdreg.scid;
	[smem:$0x7FF] =	sst s3;
	s5 =	sshll.u32 s1, $0x5  }
0x6: {  	s7 =	sand.u32 $0x1, s7;
	s28 =	smul.u32 $0xA000, s1;
	s9 =	sshll.u32 s1, $0xC  }
0x7: {  	s12 =	smul.u32 $0x2800, s1;
	s8 =	sadd.s32 s5, s4;
	s10 =	ssub.s32 $0x2, s7  }
0x8: {  	s11 =	smul.u32 $0x28000, s7;
	s9 =	sadd.s32 s9, s4;
	_ =	strace $0x80000050  }
0x9: {  	s4 =	sshll.u32 s1, $0x1;
	s30 =	sshll.u32 s7, $0xB;
	s7 =	sshll.u32 s7, $0x4  }
0xa: {  	s29 =	sshrl.u32 s10, $0x1;
	s5 =	sshrl.u32 s28, $0x2;
	s9 =	sadd.s32 s30, s9  }
0xb: {  	s31 =	sadd.s32 s7, s8;
	s10 =	ssub.s32 s10, s29;
	s5 =	sadd.s32 s5, s2  }
0xc: {  	s11 =	sadd.s32 s12, s11;
	s8 =	sadd.s32 $0x9D4400, s9;
	s9 =	sadd.s32 $0xB200, s31  }
0xd: {  	s12 =	simm.s32 $0x0;
	s11 =	sshrl.u32 s11, $0x3;
	s7 =	smax.u32 s10, $0x1  }
0xe: {  	v0 =	vimm.f32 $0.0e+00;
	s10 =	simm.s32 $0x4100;
	s6 =	sadd.s32 s6, s11;
	s11 =	simm.s32 $0x1  }
.LBB2_1:
0xf: {  	s13 =	simm.s32 $0x0;
	s14 =	simm.s32 $0x200  }
.LBB2_2:
0x10: {  	p0 =	sne.s32 s14, $0x9E00;
	[tilespmem:s13+$0x4170] =	vst v0  }
0x11: {  	[tilespmem:s13+$0x4100] =	vst v0  }
0x12: {  	[tilespmem:s13+$0x4110] =	vst v0  }
.Ltmp0:
0x13: {  	[tilespmem:s13+$0x4120] =	vst v0;
	(pc) =	sbr.rel @p0 .LBB2_2-.Ltmp0, $4  }
0x14: {  	[tilespmem:s13+$0x4130] =	vst v0  }
0x15: {  	[tilespmem:s13+$0x4140] =	vst v0  }
0x16: {  	[tilespmem:s13+$0x4150] =	vst v0  }
0x17: {  	[tilespmem:s13+$0x4160] =	vst v0;
	s13 =	sshra.s32 s14, $0x2;
	s14 =	sadd.s32 $0x200, s14  }
0x18: {  	[tilespmem:s13+$0x4170] =	vst v0  }
0x19: {  	[tilespmem:s13+$0x4100] =	vst v0  }
0x1a: {  	[tilespmem:s13+$0x4110] =	vst v0  }
0x1b: {  	[tilespmem:s13+$0x4120] =	vst v0  }
0x1c: {  	[tilespmem:s13+$0x4130] =	vst v0  }
0x1d: {  	[tilespmem:s13+$0x4140] =	vst v0  }
0x1e: {  	[tilespmem:s13+$0x4150] =	vst v0  }
0x1f: {  	[tilespmem:s13+$0x4160] =	vst v0  }
0x20: {  	[spmem:s5] =	stream.linear.scatter [tilespmem:s10], [sflag:$0x1], $0x2800, $0x38;
	[tilespmem:$0x9100] =	vst v63  }
0x21: {  	_ =	swait.ge [sflag:s11], $0x2800  }
0x22: {  	s31 =	sadd.s32 $0x0, s4;
	[sflag:s11] =	ssyncset.done $0x0  }
0x23: {  	p0 =	sgt.u32 s31, $0x4E1;
	[sflag:s11] =	ssyncadd.s32 $0xFFFFD800  }
0x24: {  	s14 =	simm.s32 @!p0 $0x0;
	s13 =	simm.s32 @!p0 $0x2;
	[bflag:$0x0] =	sbarrier.arrive $0xFFFF  }
0x25: {  	[tilespmem:s14], [sflag:$0x2] =	stream.linear.gather @!p0 [hbm4b:s9+s14], $0x80, $0x38;
	[tilespmem:$0x9100] =	vst v63  }
0x26: {  	_ =	swait.ge @!p0 [sflag:s13], $0x80;
	p0 =	por p0, p0  }
0x27: {  	[sflag:s13] =	ssyncset.done @!p0 $0x0  }
0x28: {  	[sflag:s13] =	ssyncadd.s32 @!p0 $0xFFFFFF80  }
0x29: {  	v1 =	vld @!p0 [tilespmem:$0x70]  }
0x2a: {  	v2 =	vld @!p0 [tilespmem:$0x30]  }
0x2b: {  	v3 =	vld @!p0 [tilespmem:$0x50]  }
0x2c: {  	v5 =	vld @!p0 [tilespmem:$0x20]  }
0x2d: {  	v4 =	vld @!p0 [tilespmem:$0x60]  }
0x2e: {  	v6 =	vld @!p0 [tilespmem:$0x10];
	v1 =	vshrl.u32 @!p0 v1, $0x3  }
0x2f: {  	v7 =	vld @!p0 [tilespmem:$0x40];
	v2 =	vshrl.u32 @!p0 v2, $0x3;
	[tilespmem:$0xF0] =	vst @!p0 v1  }
0x30: {  	v1 =	vld @!p0 [tilespmem:$0x0];
	[tilespmem:$0xB0] =	vst @!p0 v2;
	v2 =	vshrl.u32 @!p0 v3, $0x3  }
0x31: {  	v3 =	vshrl.u32 @!p0 v5, $0x3;
	[tilespmem:$0xD0] =	vst @!p0 v2  }
0x32: {  	v2 =	vshrl.u32 @!p0 v4, $0x3;
	[tilespmem:$0xA0] =	vst @!p0 v3  }
0x33: {  	[tilespmem:$0xE0] =	vst @!p0 v2;
	v2 =	vshrl.u32 @!p0 v6, $0x3  }
0x34: {  	[tilespmem:$0x90] =	vst @!p0 v2;
	v2 =	vshrl.u32 @!p0 v7, $0x3  }
0x35: {  	s15 =	simm.s32 $0x20;
	s16 =	sadd.s32 $0x10000, s8;
	[tilespmem:$0xC0] =	vst @!p0 v2;
	v1 =	vshrl.u32 @!p0 v1, $0x3  }
0x36: {  	s17 =	sadd.s32 $0x200, s9;
	s18 =	smov.u32 s8;
	s19 =	simm.s32 @!p0 $0x100;
	[tilespmem:$0x80] =	vst @!p0 v1  }
.LBB2_4:
0x37: {  	[tilespmem:s19], [sflag:$0x2] =	stream.linear.gather @!p0 [hbm4b:s18+s14], $0x4000, $0x38;
	[tilespmem:$0x9100] =	vst v63  }
0x38: {  	s14 =	smov.u32 s15;
	s15 =	sadd.s32 $0x20, s15;
	_ =	swait.ge @!p0 [sflag:s13], $0x4000  }
0x39: {  	s18 =	smov.u32 s16;
	p1 =	sne.s32 s15, $0x500;
	[sflag:s13] =	ssyncset.done @!p0 $0x0  }
0x3a: {  	s20 =	simm.s32 @!p0 $0x1;
	[sflag:s13] =	ssyncadd.s32 @!p0 $0xFFFFC000;
	s13 =	simm.s32 @!p0 $0x80  }
0x3b: {  	[spmem:s2] =	stream.indirect.scatter.add.f32 @!p0 [tilespmem:s19], [sflag:$0x1], $0x80, s13, s13, $0xb8;
	[tilespmem:$0x9100] =	vst v63  }
0x3c: {  	s13 =	sadd.s32 s14, s4;
	_ =	swait.ge @!p0 [sflag:s20], $0x4000  }
0x3d: {  	p2 =	sgt.u32 s13, $0x4E1;
	[sflag:s20] =	ssyncset.done @!p0 $0x0  }
0x3e: {  	s14 =	simm.s32 @!p2 $0x0;
	s13 =	simm.s32 @!p2 $0x2;
	[sflag:s20] =	ssyncadd.s32 @!p0 $0xFFFFC000  }
0x3f: {  	[tilespmem:s14], [sflag:$0x2] =	stream.linear.gather @!p2 [hbm4b:s17+s14], $0x80, $0x38;
	[tilespmem:$0x9100] =	vst v63  }
0x40: {  	p0 =	por p2, p2;
	_ =	swait.ge @!p2 [sflag:s13], $0x80  }
0x41: {  	[sflag:s13] =	ssyncset.done @!p0 $0x0  }
0x42: {  	[sflag:s13] =	ssyncadd.s32 @!p0 $0xFFFFFF80  }
0x43: {  	v1 =	vld @!p0 [tilespmem:$0x70]  }
0x44: {  	v2 =	vld @!p0 [tilespmem:$0x30]  }
0x45: {  	v3 =	vld @!p0 [tilespmem:$0x50]  }
0x46: {  	v4 =	vld @!p0 [tilespmem:$0x60]  }
0x47: {  	v5 =	vld @!p0 [tilespmem:$0x20]  }
0x48: {  	v6 =	vld @!p0 [tilespmem:$0x10];
	v1 =	vshrl.u32 @!p0 v1, $0x3  }
0x49: {  	v2 =	vshrl.u32 @!p0 v2, $0x3;
	v7 =	vld @!p0 [tilespmem:$0x40];
	[tilespmem:$0xF0] =	vst @!p0 v1  }
0x4a: {  	v1 =	vld @!p0 [tilespmem:$0x0];
	[tilespmem:$0xB0] =	vst @!p0 v2;
	v2 =	vshrl.u32 @!p0 v3, $0x3  }
0x4b: {  	[tilespmem:$0xD0] =	vst @!p0 v2;
	v2 =	vshrl.u32 @!p0 v4, $0x3  }
.Ltmp1:
0x4c: {  	v3 =	vshrl.u32 @!p0 v5, $0x3;
	[tilespmem:$0xE0] =	vst @!p0 v2;
	(pc) =	sbr.rel @p1 .LBB2_4-.Ltmp1, $4  }
0x4d: {  	v2 =	vshrl.u32 @!p0 v6, $0x3;
	[tilespmem:$0xA0] =	vst @!p0 v3  }
0x4e: {  	[tilespmem:$0x90] =	vst @!p0 v2;
	v2 =	vshrl.u32 @!p0 v7, $0x3  }
0x4f: {  	v1 =	vshrl.u32 @!p0 v1, $0x3;
	[tilespmem:$0xC0] =	vst @!p0 v2  }
0x50: {  	s16 =	sadd.s32 $0x10000, s16;
	s19 =	simm.s32 @!p0 $0x100;
	s17 =	sadd.s32 $0x200, s17;
	[tilespmem:$0x80] =	vst @!p0 v1  }
0x51: {  	[tilespmem:s19], [sflag:$0x2] =	stream.linear.gather @!p0 [hbm4b:s18+s14], $0x4000, $0x38;
	[tilespmem:$0x9100] =	vst v63  }
0x52: {  	_ =	swait.ge @!p0 [sflag:s13], $0x4000  }
0x53: {  	[sflag:s13] =	ssyncset.done @!p0 $0x0  }
0x54: {  	s14 =	simm.s32 @!p0 $0x1;
	[sflag:s13] =	ssyncadd.s32 @!p0 $0xFFFFC000;
	s13 =	simm.s32 @!p0 $0x80  }
0x55: {  	[spmem:s2] =	stream.indirect.scatter.add.f32 @!p0 [tilespmem:s19], [sflag:$0x1], $0x80, s13, s13, $0xb8;
	[tilespmem:$0x9100] =	vst v63  }
0x56: {  	_ =	swait.ge @!p0 [sflag:s14], $0x4000  }
0x57: {  	[sflag:s14] =	ssyncset.done @!p0 $0x0  }
0x58: {  	[sflag:s14] =	ssyncadd.s32 @!p0 $0xFFFFC000  }
0x59: {  	[bflag:$0x0] =	sbarrier.arrive $0xFFFF  }
0x5a: {  	[tilespmem:s10], [sflag:$0x1] =	stream.linear.gather [spmem:s5], $0x2800, $0x38;
	[tilespmem:$0x9100] =	vst v63  }
0x5b: {  	s12 =	sadd.s32 $0x1, s12;
	_ =	swait.ge [sflag:s11], $0x2800  }
0x5c: {  	p0 =	sne.s32 s12, s7;
	[sflag:s11] =	ssyncset.done $0x0  }
.Ltmp2:
0x5d: {  	[sflag:s11] =	ssyncadd.s32 $0xFFFFD800;
	(pc) =	sbr.rel @p0 .LBB2_1-.Ltmp2, $4  }
0x5e: {  	[hbm4b:s6+s3] =	stream.linear.scatter [tilespmem:s10], [sflag:$0x1], $0x2800, $0x38;
	[tilespmem:$0x9100] =	vst v63  }
0x5f: {  	_ =	swait.ge [sflag:s11], $0x2800  }
0x60: {  	[sflag:s11] =	ssyncset.done $0x0  }
0x61: {  	[sflag:s11] =	ssyncadd.s32 $0xFFFFD800  }
0x62: {  	_ =	sfence.sel $0x180000  }
0x63: {  	[bflag:$0x0] =	sbarrier.arrive $0xFFFF  }
0x64: {  	p0 =	sne.s32 s1, $0x0;
	_ =	strace $0x90000050  }
0x65: {  	s0 =	sadd.s32 @!p0 $0x100000, s0;
	[bflag:$0x2] =	sbarrier.arrive $0xFFFF  }
0x66: {  	[sflag:s0] =	ssyncadd.tile.s32 @!p0 $0x1;
	_ =	shalt  }
.Lfunc_end2:
_tile_overlayer_lowered:
.L_overlay_start_2:
0x67: {  	(tag) =	ssettag $0x2  }
0x68: {  	s0 =	rddreg [dreg:$0x0];
	s2 =	stileid.u32  }
0x69: {  	s1 =	rddreg [dreg:$0x1];
	p0 =	sne.s32 s2, $0x0  }
0x6a: {  	s3 =	rddreg [dreg:$0x2];
	[bflag:$0x3] =	sbarrier.arrive $0xFFFF;
	s2 =	simm.s32 @!p0 $0x1C01  }
0x6b: {  	[timem:s3], [sflag:s2] =	dma.local @!p0 [hbm:s0], s1  }
0x6c: {  	s0 =	simm.s32 @!p0 $0x1  }
0x6d: {  	_ =	swait.ge @!p0 [sflag:s0], s1  }
0x6e: {  	s1 =	ssub.s32 @!p0 $0x0, s1;
	[sflag:s0] =	ssyncset.done @!p0 $0x0  }
0x6f: {  	[sflag:s0] =	ssyncadd.s32 @!p0 s1  }
0x70: {  	[bflag:$0x3] =	sbarrier.arrive $0xFFFF  }
0x71: {  	_ =	shalt  }

</sc_bundles>
